<compile_context>
chip_gen: v7x
topology: tpu7x:2x2x1
jax: 0.10.2.dev20260603
libtpu: 0.0.44.dev20260713+nightly
codegen_flags: <defaults>
</compile_context>

<pallas_src>
import functools

import jax
import jax.numpy as jnp
from jax import lax
from jax.experimental import pallas as pl
from jax.experimental.pallas import tpu as pltpu
from jax.experimental.pallas import tpu_sc as plsc

M = 1024
D = 256
N = 16384

NC = 2
NS = 16
L = 16
NW = NC * NS
RPW = N // NW
CH = 128
NCH = RPW // CH

TN = 2048
NT = N // TN


def _stats_body(keys_ref, q_ref, gidx_ref, wrep_ref, rm_s, g_s, cm_s):
    i = pl.program_id(0)

    @pl.when(i < NT)
    def _():
        sc = lax.dot_general(
            keys_ref[...], q_ref[...],
            dimension_numbers=(((1,), (1,)), ((), ())),
            preferred_element_type=jnp.float32,
        )
        rm = jnp.max(sc, axis=0)
        gi = jnp.argmax(sc, axis=0).astype(jnp.int32)
        gidx_ref[...] = gi.reshape(1, 1, TN)
        rm_s[i, :] = rm
        g_s[i, :] = gi
        cm = jnp.max(sc, axis=1).reshape(M, 1)

        @pl.when(i == 0)
        def _():
            cm_s[...] = cm

        @pl.when(i > 0)
        def _():
            cm_s[...] = jnp.maximum(cm_s[...], cm)

    @pl.when(i >= NT)
    def _():
        t = i - NT
        rm = rm_s[t, :]
        g = g_s[t, :]
        rows = lax.broadcasted_iota(jnp.int32, (M, TN), 0)
        cm_bc = jnp.broadcast_to(cm_s[...], (M, TN))
        cmg = jnp.max(jnp.where(rows == g[None, :], cm_bc, -jnp.inf), axis=0)
        w = jnp.exp(rm - cmg)
        wrep_ref[...] = jnp.broadcast_to(w[:, None], (TN, L)).reshape(1, TN, L)


_stats_call = pl.pallas_call(
    _stats_body,
    grid=(2 * NT,),
    in_specs=[
        pl.BlockSpec((M, D), lambda i: (0, 0)),
        pl.BlockSpec((TN, D), lambda i: (jnp.minimum(i, NT - 1), 0)),
    ],
    out_specs=[
        pl.BlockSpec((1, 1, TN),
                     lambda i: (jnp.minimum(i, NT - 1), 0, 0)),
        pl.BlockSpec((1, TN, L),
                     lambda i: (jnp.maximum(i - NT, 0), 0, 0)),
    ],
    out_shape=[
        jax.ShapeDtypeStruct((NT, 1, TN), jnp.int32),
        jax.ShapeDtypeStruct((NT, TN, L), jnp.float32),
    ],
    scratch_shapes=[
        pltpu.VMEM((NT, TN), jnp.float32),
        pltpu.VMEM((NT, TN), jnp.int32),
        pltpu.VMEM((M, 1), jnp.float32),
    ],
)


DH = D // 2
ZR = 16


def _scatter_body(gidx_hbm, wrep_hbm, value_hbm, out_hbm,
                  wrep_a, wrep_b, v0a, v0b, v1a, v1b, idx_a, idx_b, zero_v,
                  acc0, acc1, sem_la, sem_lb, sem_sa, sem_sb):
    c = lax.axis_index("c")
    s = lax.axis_index("s")
    wid = s * NC + c
    base = wid * RPW
    arows = M // NS
    rows0 = s * arows

    def zbody(i, _):
        r = i // (D // L)
        k = i % (D // L)
        zero_v[r, pl.ds(k * L, L)] = jnp.zeros((L,), jnp.float32)
        return 0
    lax.fori_loop(0, ZR * (D // L), zbody, 0)
    for kk in range(arows // ZR):
        pltpu.sync_copy(zero_v.at[:, pl.ds(0, DH)],
                        acc0.at[pl.ds(rows0 + kk * ZR, ZR)])
        pltpu.sync_copy(zero_v.at[:, pl.ds(DH, DH)],
                        acc1.at[pl.ds(rows0 + kk * ZR, ZR)])

    banks = [(wrep_a, v0a, v1a, idx_a, sem_la, sem_sa),
             (wrep_b, v0b, v1b, idx_b, sem_lb, sem_sb)]

    def issue_loads(t, bank):
        wrep_v, v0, v1, idx_v, sem_l, _ = bank
        rbase = base + t * CH
        return [
            pltpu.async_copy(
                value_hbm.at[pl.ds(rbase, CH), pl.ds(0, DH)], v0, sem_l),
            pltpu.async_copy(
                value_hbm.at[pl.ds(rbase, CH), pl.ds(DH, DH)], v1, sem_l),
            pltpu.async_copy(wrep_hbm.at[pl.ds(rbase, CH)], wrep_v, sem_l),
            pltpu.async_copy(gidx_hbm.at[pl.ds(rbase, CH)], idx_v, sem_l),
        ]

    plsc.subcore_barrier()

    pend_loads = {0: issue_loads(0, banks[0])}
    pend_scat = {}
    for t in range(NCH):
        bank = banks[t % 2]
        wrep_v, v0, v1, idx_v, _, sem_s = bank
        for cpy in pend_loads.pop(t):
            cpy.wait()
        if t + 1 < NCH:
            nxt = banks[(t + 1) % 2]
            for cpy in pend_scat.pop(t - 1, ()):
                cpy.wait()
            pend_loads[t + 1] = issue_loads(t + 1, nxt)

        def rbody(r, _):
            wrow = wrep_v[r, :]
            for k in range(DH // L):
                v0[r, pl.ds(k * L, L)] = v0[r, pl.ds(k * L, L)] * wrow
                v1[r, pl.ds(k * L, L)] = v1[r, pl.ds(k * L, L)] * wrow
            return 0
        lax.fori_loop(0, CH, rbody, 0)

        pend_scat[t] = [
            pltpu.async_copy(v0, acc0.at[idx_v], sem_s, add=True),
            pltpu.async_copy(v1, acc1.at[idx_v], sem_s, add=True),
        ]

    for t in sorted(pend_scat):
        for cpy in pend_scat[t]:
            cpy.wait()

    plsc.subcore_barrier()
    pltpu.sync_copy(acc0.at[pl.ds(rows0, arows)],
                    out_hbm.at[c, pl.ds(rows0, arows), pl.ds(0, DH)])
    pltpu.sync_copy(acc1.at[pl.ds(rows0, arows)],
                    out_hbm.at[c, pl.ds(rows0, arows), pl.ds(DH, DH)])


_scatter_call = functools.partial(
    pl.kernel,
    out_type=jax.ShapeDtypeStruct((NC, M, D), jnp.float32),
    mesh=plsc.VectorSubcoreMesh(
        core_axis_name="c", subcore_axis_name="s",
        num_cores=NC, num_subcores=NS),
    scratch_types=[
        pltpu.VMEM((CH, L), jnp.float32),
        pltpu.VMEM((CH, L), jnp.float32),
        pltpu.VMEM((CH, DH), jnp.float32),
        pltpu.VMEM((CH, DH), jnp.float32),
        pltpu.VMEM((CH, DH), jnp.float32),
        pltpu.VMEM((CH, DH), jnp.float32),
        pltpu.VMEM((CH,), jnp.int32),
        pltpu.VMEM((CH,), jnp.int32),
        pltpu.VMEM((ZR, D), jnp.float32),
        pltpu.VMEM_SHARED((M, DH), jnp.float32),
        pltpu.VMEM_SHARED((M, DH), jnp.float32),
        pltpu.SemaphoreType.DMA,
        pltpu.SemaphoreType.DMA,
        pltpu.SemaphoreType.DMA,
        pltpu.SemaphoreType.DMA,
    ],
)(_scatter_body)


def _finalize_body(p_ref, keys_ref, out_ref):
    comb = p_ref[0] + p_ref[1] + keys_ref[...]
    nrm = jnp.sqrt(jnp.sum(comb * comb, axis=1, keepdims=True))
    out_ref[...] = comb / jnp.maximum(nrm, 1e-12)


_finalize_call = pl.pallas_call(
    _finalize_body,
    out_shape=jax.ShapeDtypeStruct((M, D), jnp.float32),
)


def kernel(keys, query, value):
    gidx3, wrep3 = _stats_call(keys, query)
    gidx = gidx3.reshape(N)
    wrep = wrep3.reshape(N, L)
    partials = _scatter_call(gidx, wrep, value)
    return _finalize_call(partials, keys)

# --- scband reference (transcript-rebuilt; emitter-appended) ---
"""Pipeline reference for scband-memory-trans-update-39728447488513 (READ-ONLY COPY).

The authoritative reference and input builder live on the scoring server;
editing this copy changes nothing except your own understanding.
"""

import jax, jax.numpy as jnp
import numpy as np

M = 1024
D = 256
N = 16384

def setup_inputs(seed: int = 0) -> dict:
    key = jax.random.key(seed)
    k1, k2, k3 = jax.random.split(key, 3)
    keys_ = jax.random.normal(k1, (M, D), dtype=jnp.float32)
    query = jax.random.normal(k2, (N, D), dtype=jnp.float32)
    value = jax.random.normal(k3, (N, D), dtype=jnp.float32)
    return {"keys": keys_, "query": query, "value": value}

def reference(keys, query, value):
    # get_score
    score = jnp.matmul(query.astype(jnp.float32), keys.astype(jnp.float32).T)  # [n, m]
    softmax_score_query = jax.nn.softmax(score, axis=0)   # softmax over queries (dim 0)
    softmax_score_memory = jax.nn.softmax(score, axis=1)  # softmax over memory slots (dim 1)
    # topk(k=1, dim=1) -> hard assignment of each query to a memory slot
    gathering_indices = jnp.argmax(softmax_score_memory, axis=1)  # [n]
    m, d = keys.shape
    n = query.shape[0]
    # get_update_query, vectorized:
    # for slot i: sum_{j: assign[j]==i} score_query[j, i] / max(score_query[:, i]) * value[j]
    col_max = jnp.max(softmax_score_query, axis=0)  # [m]
    w = softmax_score_query[jnp.arange(n), gathering_indices] / col_max[gathering_indices]  # [n]
    query_updated_memory = jax.ops.segment_sum(w[:, None] * value, gathering_indices, num_segments=m)  # [m, d]; empty slots -> 0
    combined = query_updated_memory + keys
    # F.normalize(x, dim=1): x / max(||x||_2, 1e-12)
    norm = jnp.linalg.norm(combined, axis=1, keepdims=True)
    updated_memory = combined / jnp.maximum(norm, 1e-12)
    # .detach()
    return jax.lax.stop_gradient(updated_memory)

if __name__ == "__main__":
    import jax
    _d = setup_inputs()
    print(jax.jit(kernel)(*tuple(_d.values())))

</pallas_src>

<mosaic_0001>
#map = affine_map<(d0, d1) -> (0)>
#map1 = affine_map<(d0, d1) -> (0, 0)>
#map2 = affine_map<(d0, d1) -> (0, 0, 0)>
module attributes {stable_mosaic.version = 14 : i64} {
  func.func @_scatter_body(%arg0: i32, %arg1: i32, %arg2: memref<16384xi32, #tpu.memory_space<hbm>>, %arg3: memref<16384x16xf32, #tpu.memory_space<hbm>>, %arg4: memref<16384x256xf32, #tpu.memory_space<hbm>>, %arg5: memref<2x1024x256xf32, #tpu.memory_space<hbm>>, %arg6: memref<128x16xf32, #tpu.memory_space<vmem>>, %arg7: memref<128x16xf32, #tpu.memory_space<vmem>>, %arg8: memref<128x128xf32, #tpu.memory_space<vmem>>, %arg9: memref<128x128xf32, #tpu.memory_space<vmem>>, %arg10: memref<128x128xf32, #tpu.memory_space<vmem>>, %arg11: memref<128x128xf32, #tpu.memory_space<vmem>>, %arg12: memref<128xi32, #tpu.memory_space<vmem>>, %arg13: memref<128xi32, #tpu.memory_space<vmem>>, %arg14: memref<16x256xf32, #tpu.memory_space<vmem>>, %arg15: memref<1024x128xf32, #tpu.memory_space<vmem_shared>>, %arg16: memref<1024x128xf32, #tpu.memory_space<vmem_shared>>, %arg17: memref<!tpu.dma_semaphore, #tpu.memory_space<semaphore_mem>>, %arg18: memref<!tpu.dma_semaphore, #tpu.memory_space<semaphore_mem>>, %arg19: memref<!tpu.dma_semaphore, #tpu.memory_space<semaphore_mem>>, %arg20: memref<!tpu.dma_semaphore, #tpu.memory_space<semaphore_mem>>) attributes {dimension_semantics = [#tpu.dimension_semantics<core_parallel>, #tpu.dimension_semantics<subcore_parallel>], iteration_bounds = array<i64: 2, 16>, scalar_prefetch = 0 : i64, scratch_operands = 15 : i64, tpu.core_type = #tpu.core_type<sc_vector_subcore>, window_params = [{transform_indices = #map}, {transform_indices = #map1}, {transform_indices = #map1}, {transform_indices = #map2}]} {
    %mul3A = arith.constant 2 : i32
    %mul3A_0 = arith.muli %arg1, %mul3A : i32
    %add3A = arith.addi %mul3A_0, %arg0 : i32
    %mul3A_1 = arith.constant 512 : i32
    %mul3A_2 = arith.muli %add3A, %mul3A_1 : i32
    %mul3A_3 = arith.constant 64 : i32
    %mul3A_4 = arith.muli %arg1, %mul3A_3 : i32
    %scan3A = arith.constant 0 : i32
    %scan3A_5 = arith.constant 0 : i32
    %scan3A_6 = arith.constant 256 : i32
    %scan3A_7 = arith.addi %scan3A_5, %scan3A_6 : i32
    %scan3A_8 = arith.constant 1 : i32
    %scan3A_9 = scf.for %scan3A_222 = %scan3A_5 to %scan3A_7 step %scan3A_8 iter_args(%scan3A_223 = %scan3A) -> (i32)  : i32 {
      %jit3A = arith.constant 16 : i32
      %div3A = arith.divsi %scan3A_222, %jit3A : i32
      %sign3A = arith.constant 0 : i32
      %sign3A_224 = arith.cmpi sgt, %scan3A_222, %sign3A : i32
      %sign3A_225 = arith.extui %sign3A_224 : i1 to i32
      %sign3A_226 = arith.constant 0 : i32
      %sign3A_227 = arith.cmpi slt, %scan3A_222, %sign3A_226 : i32
      %sign3A_228 = arith.extui %sign3A_227 : i1 to i32
      %sign3A_229 = arith.subi %sign3A_225, %sign3A_228 : i32
      %sign3A_230 = arith.constant 0 : i32
      %sign3A_231 = arith.cmpi sgt, %jit3A, %sign3A_230 : i32
      %sign3A_232 = arith.extui %sign3A_231 : i1 to i32
      %sign3A_233 = arith.constant 0 : i32
      %sign3A_234 = arith.cmpi slt, %jit3A, %sign3A_233 : i32
      %sign3A_235 = arith.extui %sign3A_234 : i1 to i32
      %sign3A_236 = arith.subi %sign3A_232, %sign3A_235 : i32
      %ne3A = arith.cmpi ne, %sign3A_229, %sign3A_236 : i32
      %rem3A = arith.remsi %scan3A_222, %jit3A : i32
      %ne3A_237 = arith.constant 0 : i32
      %ne3A_238 = arith.cmpi ne, %rem3A, %ne3A_237 : i32
      %and3A = arith.andi %ne3A, %ne3A_238 : i1
      %sub3A = arith.constant 1 : i32
      %sub3A_239 = arith.subi %div3A, %sub3A : i32
      %select_n3A = arith.select %and3A, %sub3A_239, %div3A : i32
      %jit3A_240 = arith.constant 16 : i32
      %eq3A = arith.constant 0 : i32
      %eq3A_241 = arith.cmpi eq, %jit3A_240, %eq3A : i32
      %jit3A_242 = arith.constant 1 : i32
      %select_n3A_243 = arith.select %eq3A_241, %jit3A_242, %jit3A_240 : i32
      %rem3A_244 = arith.remsi %scan3A_222, %select_n3A_243 : i32
      %ne3A_245 = arith.constant 0 : i32
      %ne3A_246 = arith.cmpi ne, %rem3A_244, %ne3A_245 : i32
      %lt3A = arith.constant 0 : i32
      %lt3A_247 = arith.cmpi slt, %rem3A_244, %lt3A : i32
      %lt3A_248 = arith.constant 0 : i32
      %lt3A_249 = arith.cmpi slt, %select_n3A_243, %lt3A_248 : i32
      %ne3A_250 = arith.xori %lt3A_247, %lt3A_249 : i1
      %and3A_251 = arith.andi %ne3A_250, %ne3A_246 : i1
      %add3A_252 = arith.addi %rem3A_244, %select_n3A_243 : i32
      %select_n3A_253 = arith.select %and3A_251, %add3A_252, %rem3A_244 : i32
      %broadcast_in_dim3A = arith.constant 0.000000e+00 : f32
      %broadcast_in_dim3A_254 = vector.broadcast %broadcast_in_dim3A : f32 to vector<16xf32>
      %mul3A_255 = arith.constant 16 : i32
      %mul3A_256 = arith.muli %select_n3A_253, %mul3A_255 : i32
      %swap3A = arith.index_cast %select_n3A : i32 to index
      %swap3A_257 = arith.index_cast %mul3A_256 : i32 to index
      %swap3A_258 = tpu.vector_load %arg14[%swap3A, %swap3A_257] {strides = array<i32>} : memref<16x256xf32, #tpu.memory_space<vmem>>, vector<1x16xf32>,
      %swap3A_259 = vector.shape_cast %swap3A_258 : vector<1x16xf32> to vector<16xf32>
      %swap3A_260 = vector.shape_cast %broadcast_in_dim3A_254 : vector<16xf32> to vector<1x16xf32>
      tpu.vector_store %arg14[%swap3A, %swap3A_257], %swap3A_260 {strides = array<i32>} : memref<16x256xf32, #tpu.memory_space<vmem>>, vector<1x16xf32>,
      %scan3A_261 = arith.constant 0 : i32
      scf.yield %scan3A_261 : i32
    }
    %scan3A_10 = arith.constant 256 : i32
    %add3A_11 = arith.constant 0 : i32
    %add3A_12 = arith.addi %mul3A_4, %add3A_11 : i32
    "tpu.region"() ({
      %run_scoped3A = tpu.sem_alloc : memref<!tpu.dma_semaphore, #tpu.memory_space<semaphore_mem>>
      %dma_start3A_222 = arith.constant 0 : i32
      %dma_start3A_223 = arith.constant 0 : i32
      %dma_start3A_224 = tpu.memref_slice %arg14[%dma_start3A_222, %dma_start3A_223] : memref<16x256xf32, #tpu.memory_space<vmem>> -> memref<16x128xf32, #tpu.memory_space<vmem>>
      %dma_start3A_225 = arith.constant 0 : i32
      %dma_start3A_226 = tpu.memref_slice %arg15[%add3A_12, %dma_start3A_225] : memref<1024x128xf32, #tpu.memory_space<vmem_shared>> -> memref<16x128xf32, #tpu.memory_space<vmem_shared>>
      %dma_start3A_227 = arith.constant 0 : i32
      %dma_start3A_228 = tpu.memref_slice %arg15[%add3A_12, %dma_start3A_227] : memref<1024x128xf32, #tpu.memory_space<vmem_shared>> -> memref<16x128xf32, #tpu.memory_space<vmem_shared>>
      %dma_start3A_229 = arith.constant 0 : i32
      %dma_start3A_230 = arith.constant 0 : i32
      %dma_start3A_231 = tpu.memref_slice %arg14[%dma_start3A_229, %dma_start3A_230] : memref<16x256xf32, #tpu.memory_space<vmem>> -> memref<16x128xf32, #tpu.memory_space<vmem>>
      tpu.enqueue_dma source(%dma_start3A_231 : memref<16x128xf32, #tpu.memory_space<vmem>>) target(%dma_start3A_228 : memref<16x128xf32, #tpu.memory_space<vmem_shared>>) target_semaphore(%run_scoped3A : memref<!tpu.dma_semaphore, #tpu.memory_space<semaphore_mem>>)
      %dma_wait3A_232 = arith.constant 0 : i32
      %dma_wait3A_233 = arith.constant 0 : i32
      %dma_wait3A_234 = tpu.memref_slice %arg14[%dma_wait3A_232, %dma_wait3A_233] : memref<16x256xf32, #tpu.memory_space<vmem>> -> memref<16x128xf32, #tpu.memory_space<vmem>>
      %dma_wait3A_235 = arith.constant 0 : i32
      %dma_wait3A_236 = tpu.memref_slice %arg15[%add3A_12, %dma_wait3A_235] : memref<1024x128xf32, #tpu.memory_space<vmem_shared>> -> memref<16x128xf32, #tpu.memory_space<vmem_shared>>
      %dma_wait3A_237 = arith.constant 0 : i32
      %dma_wait3A_238 = tpu.memref_slice %arg15[%add3A_12, %dma_wait3A_237] : memref<1024x128xf32, #tpu.memory_space<vmem_shared>> -> memref<16x128xf32, #tpu.memory_space<vmem_shared>>
      %dma_wait3A_239 = arith.constant 0 : i32
      %dma_wait3A_240 = arith.constant 0 : i32
      %dma_wait3A_241 = tpu.memref_slice %arg14[%dma_wait3A_239, %dma_wait3A_240] : memref<16x256xf32, #tpu.memory_space<vmem>> -> memref<16x128xf32, #tpu.memory_space<vmem>>
      tpu.wait_dma2 semaphore(%run_scoped3A : memref<!tpu.dma_semaphore, #tpu.memory_space<semaphore_mem>>) src(%dma_wait3A_241 : memref<16x128xf32, #tpu.memory_space<vmem>>) dst(%dma_wait3A_238 : memref<16x128xf32, #tpu.memory_space<vmem_shared>>)
      tpu.yield
    }) : () -> ()
    %add3A_13 = arith.constant 0 : i32
    %add3A_14 = arith.addi %mul3A_4, %add3A_13 : i32
    "tpu.region"() ({
      %run_scoped3A = tpu.sem_alloc : memref<!tpu.dma_semaphore, #tpu.memory_space<semaphore_mem>>
      %dma_start3A_222 = arith.constant 0 : i32
      %dma_start3A_223 = arith.constant 128 : i32
      %dma_start3A_224 = tpu.memref_slice %arg14[%dma_start3A_222, %dma_start3A_223] : memref<16x256xf32, #tpu.memory_space<vmem>> -> memref<16x128xf32, #tpu.memory_space<vmem>>
      %dma_start3A_225 = arith.constant 0 : i32
      %dma_start3A_226 = tpu.memref_slice %arg16[%add3A_14, %dma_start3A_225] : memref<1024x128xf32, #tpu.memory_space<vmem_shared>> -> memref<16x128xf32, #tpu.memory_space<vmem_shared>>
      %dma_start3A_227 = arith.constant 0 : i32
      %dma_start3A_228 = tpu.memref_slice %arg16[%add3A_14, %dma_start3A_227] : memref<1024x128xf32, #tpu.memory_space<vmem_shared>> -> memref<16x128xf32, #tpu.memory_space<vmem_shared>>
      %dma_start3A_229 = arith.constant 0 : i32
      %dma_start3A_230 = arith.constant 128 : i32
      %dma_start3A_231 = tpu.memref_slice %arg14[%dma_start3A_229, %dma_start3A_230] : memref<16x256xf32, #tpu.memory_space<vmem>> -> memref<16x128xf32, #tpu.memory_space<vmem>>
      tpu.enqueue_dma source(%dma_start3A_231 : memref<16x128xf32, #tpu.memory_space<vmem>>) target(%dma_start3A_228 : memref<16x128xf32, #tpu.memory_space<vmem_shared>>) target_semaphore(%run_scoped3A : memref<!tpu.dma_semaphore, #tpu.memory_space<semaphore_mem>>)
      %dma_wait3A_232 = arith.constant 0 : i32
      %dma_wait3A_233 = arith.constant 128 : i32
      %dma_wait3A_234 = tpu.memref_slice %arg14[%dma_wait3A_232, %dma_wait3A_233] : memref<16x256xf32, #tpu.memory_space<vmem>> -> memref<16x128xf32, #tpu.memory_space<vmem>>
      %dma_wait3A_235 = arith.constant 0 : i32
      %dma_wait3A_236 = tpu.memref_slice %arg16[%add3A_14, %dma_wait3A_235] : memref<1024x128xf32, #tpu.memory_space<vmem_shared>> -> memref<16x128xf32, #tpu.memory_space<vmem_shared>>
      %dma_wait3A_237 = arith.constant 0 : i32
      %dma_wait3A_238 = tpu.memref_slice %arg16[%add3A_14, %dma_wait3A_237] : memref<1024x128xf32, #tpu.memory_space<vmem_shared>> -> memref<16x128xf32, #tpu.memory_space<vmem_shared>>
      %dma_wait3A_239 = arith.constant 0 : i32
      %dma_wait3A_240 = arith.constant 128 : i32
      %dma_wait3A_241 = tpu.memref_slice %arg14[%dma_wait3A_239, %dma_wait3A_240] : memref<16x256xf32, #tpu.memory_space<vmem>> -> memref<16x128xf32, #tpu.memory_space<vmem>>
      tpu.wait_dma2 semaphore(%run_scoped3A : memref<!tpu.dma_semaphore, #tpu.memory_space<semaphore_mem>>) src(%dma_wait3A_241 : memref<16x128xf32, #tpu.memory_space<vmem>>) dst(%dma_wait3A_238 : memref<16x128xf32, #tpu.memory_space<vmem_shared>>)
      tpu.yield
    }) : () -> ()
    %add3A_15 = arith.constant 16 : i32
    %add3A_16 = arith.addi %mul3A_4, %add3A_15 : i32
    "tpu.region"() ({
      %run_scoped3A = tpu.sem_alloc : memref<!tpu.dma_semaphore, #tpu.memory_space<semaphore_mem>>
      %dma_start3A_222 = arith.constant 0 : i32
      %dma_start3A_223 = arith.constant 0 : i32
      %dma_start3A_224 = tpu.memref_slice %arg14[%dma_start3A_222, %dma_start3A_223] : memref<16x256xf32, #tpu.memory_space<vmem>> -> memref<16x128xf32, #tpu.memory_space<vmem>>
      %dma_start3A_225 = arith.constant 0 : i32
      %dma_start3A_226 = tpu.memref_slice %arg15[%add3A_16, %dma_start3A_225] : memref<1024x128xf32, #tpu.memory_space<vmem_shared>> -> memref<16x128xf32, #tpu.memory_space<vmem_shared>>
      %dma_start3A_227 = arith.constant 0 : i32
      %dma_start3A_228 = tpu.memref_slice %arg15[%add3A_16, %dma_start3A_227] : memref<1024x128xf32, #tpu.memory_space<vmem_shared>> -> memref<16x128xf32, #tpu.memory_space<vmem_shared>>
      %dma_start3A_229 = arith.constant 0 : i32
      %dma_start3A_230 = arith.constant 0 : i32
      %dma_start3A_231 = tpu.memref_slice %arg14[%dma_start3A_229, %dma_start3A_230] : memref<16x256xf32, #tpu.memory_space<vmem>> -> memref<16x128xf32, #tpu.memory_space<vmem>>
      tpu.enqueue_dma source(%dma_start3A_231 : memref<16x128xf32, #tpu.memory_space<vmem>>) target(%dma_start3A_228 : memref<16x128xf32, #tpu.memory_space<vmem_shared>>) target_semaphore(%run_scoped3A : memref<!tpu.dma_semaphore, #tpu.memory_space<semaphore_mem>>)
      %dma_wait3A_232 = arith.constant 0 : i32
      %dma_wait3A_233 = arith.constant 0 : i32
      %dma_wait3A_234 = tpu.memref_slice %arg14[%dma_wait3A_232, %dma_wait3A_233] : memref<16x256xf32, #tpu.memory_space<vmem>> -> memref<16x128xf32, #tpu.memory_space<vmem>>
      %dma_wait3A_235 = arith.constant 0 : i32
      %dma_wait3A_236 = tpu.memref_slice %arg15[%add3A_16, %dma_wait3A_235] : memref<1024x128xf32, #tpu.memory_space<vmem_shared>> -> memref<16x128xf32, #tpu.memory_space<vmem_shared>>
      %dma_wait3A_237 = arith.constant 0 : i32
      %dma_wait3A_238 = tpu.memref_slice %arg15[%add3A_16, %dma_wait3A_237] : memref<1024x128xf32, #tpu.memory_space<vmem_shared>> -> memref<16x128xf32, #tpu.memory_space<vmem_shared>>
      %dma_wait3A_239 = arith.constant 0 : i32
      %dma_wait3A_240 = arith.constant 0 : i32
      %dma_wait3A_241 = tpu.memref_slice %arg14[%dma_wait3A_239, %dma_wait3A_240] : memref<16x256xf32, #tpu.memory_space<vmem>> -> memref<16x128xf32, #tpu.memory_space<vmem>>
      tpu.wait_dma2 semaphore(%run_scoped3A : memref<!tpu.dma_semaphore, #tpu.memory_space<semaphore_mem>>) src(%dma_wait3A_241 : memref<16x128xf32, #tpu.memory_space<vmem>>) dst(%dma_wait3A_238 : memref<16x128xf32, #tpu.memory_space<vmem_shared>>)
      tpu.yield
    }) : () -> ()
    %add3A_17 = arith.constant 16 : i32
    %add3A_18 = arith.addi %mul3A_4, %add3A_17 : i32
    "tpu.region"() ({
      %run_scoped3A = tpu.sem_alloc : memref<!tpu.dma_semaphore, #tpu.memory_space<semaphore_mem>>
      %dma_start3A_222 = arith.constant 0 : i32
      %dma_start3A_223 = arith.constant 128 : i32
      %dma_start3A_224 = tpu.memref_slice %arg14[%dma_start3A_222, %dma_start3A_223] : memref<16x256xf32, #tpu.memory_space<vmem>> -> memref<16x128xf32, #tpu.memory_space<vmem>>
      %dma_start3A_225 = arith.constant 0 : i32
      %dma_start3A_226 = tpu.memref_slice %arg16[%add3A_18, %dma_start3A_225] : memref<1024x128xf32, #tpu.memory_space<vmem_shared>> -> memref<16x128xf32, #tpu.memory_space<vmem_shared>>
      %dma_start3A_227 = arith.constant 0 : i32
      %dma_start3A_228 = tpu.memref_slice %arg16[%add3A_18, %dma_start3A_227] : memref<1024x128xf32, #tpu.memory_space<vmem_shared>> -> memref<16x128xf32, #tpu.memory_space<vmem_shared>>
      %dma_start3A_229 = arith.constant 0 : i32
      %dma_start3A_230 = arith.constant 128 : i32
      %dma_start3A_231 = tpu.memref_slice %arg14[%dma_start3A_229, %dma_start3A_230] : memref<16x256xf32, #tpu.memory_space<vmem>> -> memref<16x128xf32, #tpu.memory_space<vmem>>
      tpu.enqueue_dma source(%dma_start3A_231 : memref<16x128xf32, #tpu.memory_space<vmem>>) target(%dma_start3A_228 : memref<16x128xf32, #tpu.memory_space<vmem_shared>>) target_semaphore(%run_scoped3A : memref<!tpu.dma_semaphore, #tpu.memory_space<semaphore_mem>>)
      %dma_wait3A_232 = arith.constant 0 : i32
      %dma_wait3A_233 = arith.constant 128 : i32
      %dma_wait3A_234 = tpu.memref_slice %arg14[%dma_wait3A_232, %dma_wait3A_233] : memref<16x256xf32, #tpu.memory_space<vmem>> -> memref<16x128xf32, #tpu.memory_space<vmem>>
      %dma_wait3A_235 = arith.constant 0 : i32
      %dma_wait3A_236 = tpu.memref_slice %arg16[%add3A_18, %dma_wait3A_235] : memref<1024x128xf32, #tpu.memory_space<vmem_shared>> -> memref<16x128xf32, #tpu.memory_space<vmem_shared>>
      %dma_wait3A_237 = arith.constant 0 : i32
      %dma_wait3A_238 = tpu.memref_slice %arg16[%add3A_18, %dma_wait3A_237] : memref<1024x128xf32, #tpu.memory_space<vmem_shared>> -> memref<16x128xf32, #tpu.memory_space<vmem_shared>>
      %dma_wait3A_239 = arith.constant 0 : i32
      %dma_wait3A_240 = arith.constant 128 : i32
      %dma_wait3A_241 = tpu.memref_slice %arg14[%dma_wait3A_239, %dma_wait3A_240] : memref<16x256xf32, #tpu.memory_space<vmem>> -> memref<16x128xf32, #tpu.memory_space<vmem>>
      tpu.wait_dma2 semaphore(%run_scoped3A : memref<!tpu.dma_semaphore, #tpu.memory_space<semaphore_mem>>) src(%dma_wait3A_241 : memref<16x128xf32, #tpu.memory_space<vmem>>) dst(%dma_wait3A_238 : memref<16x128xf32, #tpu.memory_space<vmem_shared>>)
      tpu.yield
    }) : () -> ()
    %add3A_19 = arith.constant 32 : i32
    %add3A_20 = arith.addi %mul3A_4, %add3A_19 : i32
    "tpu.region"() ({
      %run_scoped3A = tpu.sem_alloc : memref<!tpu.dma_semaphore, #tpu.memory_space<semaphore_mem>>
      %dma_start3A_222 = arith.constant 0 : i32
      %dma_start3A_223 = arith.constant 0 : i32
      %dma_start3A_224 = tpu.memref_slice %arg14[%dma_start3A_222, %dma_start3A_223] : memref<16x256xf32, #tpu.memory_space<vmem>> -> memref<16x128xf32, #tpu.memory_space<vmem>>
      %dma_start3A_225 = arith.constant 0 : i32
      %dma_start3A_226 = tpu.memref_slice %arg15[%add3A_20, %dma_start3A_225] : memref<1024x128xf32, #tpu.memory_space<vmem_shared>> -> memref<16x128xf32, #tpu.memory_space<vmem_shared>>
      %dma_start3A_227 = arith.constant 0 : i32
      %dma_start3A_228 = tpu.memref_slice %arg15[%add3A_20, %dma_start3A_227] : memref<1024x128xf32, #tpu.memory_space<vmem_shared>> -> memref<16x128xf32, #tpu.memory_space<vmem_shared>>
      %dma_start3A_229 = arith.constant 0 : i32
      %dma_start3A_230 = arith.constant 0 : i32
      %dma_start3A_231 = tpu.memref_slice %arg14[%dma_start3A_229, %dma_start3A_230] : memref<16x256xf32, #tpu.memory_space<vmem>> -> memref<16x128xf32, #tpu.memory_space<vmem>>
      tpu.enqueue_dma source(%dma_start3A_231 : memref<16x128xf32, #tpu.memory_space<vmem>>) target(%dma_start3A_228 : memref<16x128xf32, #tpu.memory_space<vmem_shared>>) target_semaphore(%run_scoped3A : memref<!tpu.dma_semaphore, #tpu.memory_space<semaphore_mem>>)
      %dma_wait3A_232 = arith.constant 0 : i32
      %dma_wait3A_233 = arith.constant 0 : i32
      %dma_wait3A_234 = tpu.memref_slice %arg14[%dma_wait3A_232, %dma_wait3A_233] : memref<16x256xf32, #tpu.memory_space<vmem>> -> memref<16x128xf32, #tpu.memory_space<vmem>>
      %dma_wait3A_235 = arith.constant 0 : i32
      %dma_wait3A_236 = tpu.memref_slice %arg15[%add3A_20, %dma_wait3A_235] : memref<1024x128xf32, #tpu.memory_space<vmem_shared>> -> memref<16x128xf32, #tpu.memory_space<vmem_shared>>
      %dma_wait3A_237 = arith.constant 0 : i32
      %dma_wait3A_238 = tpu.memref_slice %arg15[%add3A_20, %dma_wait3A_237] : memref<1024x128xf32, #tpu.memory_space<vmem_shared>> -> memref<16x128xf32, #tpu.memory_space<vmem_shared>>
      %dma_wait3A_239 = arith.constant 0 : i32
      %dma_wait3A_240 = arith.constant 0 : i32
      %dma_wait3A_241 = tpu.memref_slice %arg14[%dma_wait3A_239, %dma_wait3A_240] : memref<16x256xf32, #tpu.memory_space<vmem>> -> memref<16x128xf32, #tpu.memory_space<vmem>>
      tpu.wait_dma2 semaphore(%run_scoped3A : memref<!tpu.dma_semaphore, #tpu.memory_space<semaphore_mem>>) src(%dma_wait3A_241 : memref<16x128xf32, #tpu.memory_space<vmem>>) dst(%dma_wait3A_238 : memref<16x128xf32, #tpu.memory_space<vmem_shared>>)
      tpu.yield
    }) : () -> ()
    %add3A_21 = arith.constant 32 : i32
    %add3A_22 = arith.addi %mul3A_4, %add3A_21 : i32
    "tpu.region"() ({
      %run_scoped3A = tpu.sem_alloc : memref<!tpu.dma_semaphore, #tpu.memory_space<semaphore_mem>>
      %dma_start3A_222 = arith.constant 0 : i32
      %dma_start3A_223 = arith.constant 128 : i32
      %dma_start3A_224 = tpu.memref_slice %arg14[%dma_start3A_222, %dma_start3A_223] : memref<16x256xf32, #tpu.memory_space<vmem>> -> memref<16x128xf32, #tpu.memory_space<vmem>>
      %dma_start3A_225 = arith.constant 0 : i32
      %dma_start3A_226 = tpu.memref_slice %arg16[%add3A_22, %dma_start3A_225] : memref<1024x128xf32, #tpu.memory_space<vmem_shared>> -> memref<16x128xf32, #tpu.memory_space<vmem_shared>>
      %dma_start3A_227 = arith.constant 0 : i32
      %dma_start3A_228 = tpu.memref_slice %arg16[%add3A_22, %dma_start3A_227] : memref<1024x128xf32, #tpu.memory_space<vmem_shared>> -> memref<16x128xf32, #tpu.memory_space<vmem_shared>>
      %dma_start3A_229 = arith.constant 0 : i32
      %dma_start3A_230 = arith.constant 128 : i32
      %dma_start3A_231 = tpu.memref_slice %arg14[%dma_start3A_229, %dma_start3A_230] : memref<16x256xf32, #tpu.memory_space<vmem>> -> memref<16x128xf32, #tpu.memory_space<vmem>>
      tpu.enqueue_dma source(%dma_start3A_231 : memref<16x128xf32, #tpu.memory_space<vmem>>) target(%dma_start3A_228 : memref<16x128xf32, #tpu.memory_space<vmem_shared>>) target_semaphore(%run_scoped3A : memref<!tpu.dma_semaphore, #tpu.memory_space<semaphore_mem>>)
      %dma_wait3A_232 = arith.constant 0 : i32
      %dma_wait3A_233 = arith.constant 128 : i32
      %dma_wait3A_234 = tpu.memref_slice %arg14[%dma_wait3A_232, %dma_wait3A_233] : memref<16x256xf32, #tpu.memory_space<vmem>> -> memref<16x128xf32, #tpu.memory_space<vmem>>
      %dma_wait3A_235 = arith.constant 0 : i32
      %dma_wait3A_236 = tpu.memref_slice %arg16[%add3A_22, %dma_wait3A_235] : memref<1024x128xf32, #tpu.memory_space<vmem_shared>> -> memref<16x128xf32, #tpu.memory_space<vmem_shared>>
      %dma_wait3A_237 = arith.constant 0 : i32
      %dma_wait3A_238 = tpu.memref_slice %arg16[%add3A_22, %dma_wait3A_237] : memref<1024x128xf32, #tpu.memory_space<vmem_shared>> -> memref<16x128xf32, #tpu.memory_space<vmem_shared>>
      %dma_wait3A_239 = arith.constant 0 : i32
      %dma_wait3A_240 = arith.constant 128 : i32
      %dma_wait3A_241 = tpu.memref_slice %arg14[%dma_wait3A_239, %dma_wait3A_240] : memref<16x256xf32, #tpu.memory_space<vmem>> -> memref<16x128xf32, #tpu.memory_space<vmem>>
      tpu.wait_dma2 semaphore(%run_scoped3A : memref<!tpu.dma_semaphore, #tpu.memory_space<semaphore_mem>>) src(%dma_wait3A_241 : memref<16x128xf32, #tpu.memory_space<vmem>>) dst(%dma_wait3A_238 : memref<16x128xf32, #tpu.memory_space<vmem_shared>>)
      tpu.yield
    }) : () -> ()
    %add3A_23 = arith.constant 48 : i32
    %add3A_24 = arith.addi %mul3A_4, %add3A_23 : i32
    "tpu.region"() ({
      %run_scoped3A = tpu.sem_alloc : memref<!tpu.dma_semaphore, #tpu.memory_space<semaphore_mem>>
      %dma_start3A_222 = arith.constant 0 : i32
      %dma_start3A_223 = arith.constant 0 : i32
      %dma_start3A_224 = tpu.memref_slice %arg14[%dma_start3A_222, %dma_start3A_223] : memref<16x256xf32, #tpu.memory_space<vmem>> -> memref<16x128xf32, #tpu.memory_space<vmem>>
      %dma_start3A_225 = arith.constant 0 : i32
      %dma_start3A_226 = tpu.memref_slice %arg15[%add3A_24, %dma_start3A_225] : memref<1024x128xf32, #tpu.memory_space<vmem_shared>> -> memref<16x128xf32, #tpu.memory_space<vmem_shared>>
      %dma_start3A_227 = arith.constant 0 : i32
      %dma_start3A_228 = tpu.memref_slice %arg15[%add3A_24, %dma_start3A_227] : memref<1024x128xf32, #tpu.memory_space<vmem_shared>> -> memref<16x128xf32, #tpu.memory_space<vmem_shared>>
      %dma_start3A_229 = arith.constant 0 : i32
      %dma_start3A_230 = arith.constant 0 : i32
      %dma_start3A_231 = tpu.memref_slice %arg14[%dma_start3A_229, %dma_start3A_230] : memref<16x256xf32, #tpu.memory_space<vmem>> -> memref<16x128xf32, #tpu.memory_space<vmem>>
      tpu.enqueue_dma source(%dma_start3A_231 : memref<16x128xf32, #tpu.memory_space<vmem>>) target(%dma_start3A_228 : memref<16x128xf32, #tpu.memory_space<vmem_shared>>) target_semaphore(%run_scoped3A : memref<!tpu.dma_semaphore, #tpu.memory_space<semaphore_mem>>)
      %dma_wait3A_232 = arith.constant 0 : i32
      %dma_wait3A_233 = arith.constant 0 : i32
      %dma_wait3A_234 = tpu.memref_slice %arg14[%dma_wait3A_232, %dma_wait3A_233] : memref<16x256xf32, #tpu.memory_space<vmem>> -> memref<16x128xf32, #tpu.memory_space<vmem>>
      %dma_wait3A_235 = arith.constant 0 : i32
      %dma_wait3A_236 = tpu.memref_slice %arg15[%add3A_24, %dma_wait3A_235] : memref<1024x128xf32, #tpu.memory_space<vmem_shared>> -> memref<16x128xf32, #tpu.memory_space<vmem_shared>>
      %dma_wait3A_237 = arith.constant 0 : i32
      %dma_wait3A_238 = tpu.memref_slice %arg15[%add3A_24, %dma_wait3A_237] : memref<1024x128xf32, #tpu.memory_space<vmem_shared>> -> memref<16x128xf32, #tpu.memory_space<vmem_shared>>
      %dma_wait3A_239 = arith.constant 0 : i32
      %dma_wait3A_240 = arith.constant 0 : i32
      %dma_wait3A_241 = tpu.memref_slice %arg14[%dma_wait3A_239, %dma_wait3A_240] : memref<16x256xf32, #tpu.memory_space<vmem>> -> memref<16x128xf32, #tpu.memory_space<vmem>>
      tpu.wait_dma2 semaphore(%run_scoped3A : memref<!tpu.dma_semaphore, #tpu.memory_space<semaphore_mem>>) src(%dma_wait3A_241 : memref<16x128xf32, #tpu.memory_space<vmem>>) dst(%dma_wait3A_238 : memref<16x128xf32, #tpu.memory_space<vmem_shared>>)
      tpu.yield
    }) : () -> ()
    %add3A_25 = arith.constant 48 : i32
    %add3A_26 = arith.addi %mul3A_4, %add3A_25 : i32
    "tpu.region"() ({
      %run_scoped3A = tpu.sem_alloc : memref<!tpu.dma_semaphore, #tpu.memory_space<semaphore_mem>>
      %dma_start3A_222 = arith.constant 0 : i32
      %dma_start3A_223 = arith.constant 128 : i32
      %dma_start3A_224 = tpu.memref_slice %arg14[%dma_start3A_222, %dma_start3A_223] : memref<16x256xf32, #tpu.memory_space<vmem>> -> memref<16x128xf32, #tpu.memory_space<vmem>>
      %dma_start3A_225 = arith.constant 0 : i32
      %dma_start3A_226 = tpu.memref_slice %arg16[%add3A_26, %dma_start3A_225] : memref<1024x128xf32, #tpu.memory_space<vmem_shared>> -> memref<16x128xf32, #tpu.memory_space<vmem_shared>>
      %dma_start3A_227 = arith.constant 0 : i32
      %dma_start3A_228 = tpu.memref_slice %arg16[%add3A_26, %dma_start3A_227] : memref<1024x128xf32, #tpu.memory_space<vmem_shared>> -> memref<16x128xf32, #tpu.memory_space<vmem_shared>>
      %dma_start3A_229 = arith.constant 0 : i32
      %dma_start3A_230 = arith.constant 128 : i32
      %dma_start3A_231 = tpu.memref_slice %arg14[%dma_start3A_229, %dma_start3A_230] : memref<16x256xf32, #tpu.memory_space<vmem>> -> memref<16x128xf32, #tpu.memory_space<vmem>>
      tpu.enqueue_dma source(%dma_start3A_231 : memref<16x128xf32, #tpu.memory_space<vmem>>) target(%dma_start3A_228 : memref<16x128xf32, #tpu.memory_space<vmem_shared>>) target_semaphore(%run_scoped3A : memref<!tpu.dma_semaphore, #tpu.memory_space<semaphore_mem>>)
      %dma_wait3A_232 = arith.constant 0 : i32
      %dma_wait3A_233 = arith.constant 128 : i32
      %dma_wait3A_234 = tpu.memref_slice %arg14[%dma_wait3A_232, %dma_wait3A_233] : memref<16x256xf32, #tpu.memory_space<vmem>> -> memref<16x128xf32, #tpu.memory_space<vmem>>
      %dma_wait3A_235 = arith.constant 0 : i32
      %dma_wait3A_236 = tpu.memref_slice %arg16[%add3A_26, %dma_wait3A_235] : memref<1024x128xf32, #tpu.memory_space<vmem_shared>> -> memref<16x128xf32, #tpu.memory_space<vmem_shared>>
      %dma_wait3A_237 = arith.constant 0 : i32
      %dma_wait3A_238 = tpu.memref_slice %arg16[%add3A_26, %dma_wait3A_237] : memref<1024x128xf32, #tpu.memory_space<vmem_shared>> -> memref<16x128xf32, #tpu.memory_space<vmem_shared>>
      %dma_wait3A_239 = arith.constant 0 : i32
      %dma_wait3A_240 = arith.constant 128 : i32
      %dma_wait3A_241 = tpu.memref_slice %arg14[%dma_wait3A_239, %dma_wait3A_240] : memref<16x256xf32, #tpu.memory_space<vmem>> -> memref<16x128xf32, #tpu.memory_space<vmem>>
      tpu.wait_dma2 semaphore(%run_scoped3A : memref<!tpu.dma_semaphore, #tpu.memory_space<semaphore_mem>>) src(%dma_wait3A_241 : memref<16x128xf32, #tpu.memory_space<vmem>>) dst(%dma_wait3A_238 : memref<16x128xf32, #tpu.memory_space<vmem_shared>>)
      tpu.yield
    }) : () -> ()
    %barrier3A = arith.constant 0 : index
    tpu.barrier barrier_id(%barrier3A)
    %add3A_27 = arith.constant 0 : i32
    %add3A_28 = arith.addi %mul3A_2, %add3A_27 : i32
    %dma_start3A = arith.constant 0 : i32
    %dma_start3A_29 = tpu.memref_slice %arg4[%add3A_28, %dma_start3A] : memref<16384x256xf32, #tpu.memory_space<hbm>> -> memref<128x128xf32, #tpu.memory_space<hbm>>
    %dma_start3A_30 = arith.constant 0 : i32
    %dma_start3A_31 = tpu.memref_slice %arg4[%add3A_28, %dma_start3A_30] : memref<16384x256xf32, #tpu.memory_space<hbm>> -> memref<128x128xf32, #tpu.memory_space<hbm>>
    tpu.enqueue_dma source(%dma_start3A_31 : memref<128x128xf32, #tpu.memory_space<hbm>>) target(%arg8 : memref<128x128xf32, #tpu.memory_space<vmem>>) target_semaphore(%arg17 : memref<!tpu.dma_semaphore, #tpu.memory_space<semaphore_mem>>)
    %dma_start3A_32 = arith.constant 128 : i32
    %dma_start3A_33 = tpu.memref_slice %arg4[%add3A_28, %dma_start3A_32] : memref<16384x256xf32, #tpu.memory_space<hbm>> -> memref<128x128xf32, #tpu.memory_space<hbm>>
    %dma_start3A_34 = arith.constant 128 : i32
    %dma_start3A_35 = tpu.memref_slice %arg4[%add3A_28, %dma_start3A_34] : memref<16384x256xf32, #tpu.memory_space<hbm>> -> memref<128x128xf32, #tpu.memory_space<hbm>>
    tpu.enqueue_dma source(%dma_start3A_35 : memref<128x128xf32, #tpu.memory_space<hbm>>) target(%arg10 : memref<128x128xf32, #tpu.memory_space<vmem>>) target_semaphore(%arg17 : memref<!tpu.dma_semaphore, #tpu.memory_space<semaphore_mem>>)
    %dma_start3A_36 = arith.constant 0 : i32
    %dma_start3A_37 = tpu.memref_slice %arg3[%add3A_28, %dma_start3A_36] : memref<16384x16xf32, #tpu.memory_space<hbm>> -> memref<128x16xf32, #tpu.memory_space<hbm>>
    %dma_start3A_38 = arith.constant 0 : i32
    %dma_start3A_39 = tpu.memref_slice %arg3[%add3A_28, %dma_start3A_38] : memref<16384x16xf32, #tpu.memory_space<hbm>> -> memref<128x16xf32, #tpu.memory_space<hbm>>
    tpu.enqueue_dma source(%dma_start3A_39 : memref<128x16xf32, #tpu.memory_space<hbm>>) target(%arg6 : memref<128x16xf32, #tpu.memory_space<vmem>>) target_semaphore(%arg17 : memref<!tpu.dma_semaphore, #tpu.memory_space<semaphore_mem>>)
    %dma_start3A_40 = tpu.memref_slice %arg2[%add3A_28] : memref<16384xi32, #tpu.memory_space<hbm>> -> memref<128xi32, #tpu.memory_space<hbm>>
    %dma_start3A_41 = tpu.memref_slice %arg2[%add3A_28] : memref<16384xi32, #tpu.memory_space<hbm>> -> memref<128xi32, #tpu.memory_space<hbm>>
    tpu.enqueue_dma source(%dma_start3A_41 : memref<128xi32, #tpu.memory_space<hbm>>) target(%arg12 : memref<128xi32, #tpu.memory_space<vmem>>) target_semaphore(%arg17 : memref<!tpu.dma_semaphore, #tpu.memory_space<semaphore_mem>>)
    %dma_wait3A = arith.constant 0 : i32
    %dma_wait3A_42 = tpu.memref_slice %arg4[%add3A_28, %dma_wait3A] : memref<16384x256xf32, #tpu.memory_space<hbm>> -> memref<128x128xf32, #tpu.memory_space<hbm>>
    %dma_wait3A_43 = arith.constant 0 : i32
    %dma_wait3A_44 = tpu.memref_slice %arg4[%add3A_28, %dma_wait3A_43] : memref<16384x256xf32, #tpu.memory_space<hbm>> -> memref<128x128xf32, #tpu.memory_space<hbm>>
    tpu.wait_dma2 semaphore(%arg17 : memref<!tpu.dma_semaphore, #tpu.memory_space<semaphore_mem>>) src(%dma_wait3A_44 : memref<128x128xf32, #tpu.memory_space<hbm>>) dst(%arg8 : memref<128x128xf32, #tpu.memory_space<vmem>>)
    %dma_wait3A_45 = arith.constant 128 : i32
    %dma_wait3A_46 = tpu.memref_slice %arg4[%add3A_28, %dma_wait3A_45] : memref<16384x256xf32, #tpu.memory_space<hbm>> -> memref<128x128xf32, #tpu.memory_space<hbm>>
    %dma_wait3A_47 = arith.constant 128 : i32
    %dma_wait3A_48 = tpu.memref_slice %arg4[%add3A_28, %dma_wait3A_47] : memref<16384x256xf32, #tpu.memory_space<hbm>> -> memref<128x128xf32, #tpu.memory_space<hbm>>
    tpu.wait_dma2 semaphore(%arg17 : memref<!tpu.dma_semaphore, #tpu.memory_space<semaphore_mem>>) src(%dma_wait3A_48 : memref<128x128xf32, #tpu.memory_space<hbm>>) dst(%arg10 : memref<128x128xf32, #tpu.memory_space<vmem>>)
    %dma_wait3A_49 = arith.constant 0 : i32
    %dma_wait3A_50 = tpu.memref_slice %arg3[%add3A_28, %dma_wait3A_49] : memref<16384x16xf32, #tpu.memory_space<hbm>> -> memref<128x16xf32, #tpu.memory_space<hbm>>
    %dma_wait3A_51 = arith.constant 0 : i32
    %dma_wait3A_52 = tpu.memref_slice %arg3[%add3A_28, %dma_wait3A_51] : memref<16384x16xf32, #tpu.memory_space<hbm>> -> memref<128x16xf32, #tpu.memory_space<hbm>>
    tpu.wait_dma2 semaphore(%arg17 : memref<!tpu.dma_semaphore, #tpu.memory_space<semaphore_mem>>) src(%dma_wait3A_52 : memref<128x16xf32, #tpu.memory_space<hbm>>) dst(%arg6 : memref<128x16xf32, #tpu.memory_space<vmem>>)
    %dma_wait3A_53 = tpu.memref_slice %arg2[%add3A_28] : memref<16384xi32, #tpu.memory_space<hbm>> -> memref<128xi32, #tpu.memory_space<hbm>>
    %dma_wait3A_54 = tpu.memref_slice %arg2[%add3A_28] : memref<16384xi32, #tpu.memory_space<hbm>> -> memref<128xi32, #tpu.memory_space<hbm>>
    tpu.wait_dma2 semaphore(%arg17 : memref<!tpu.dma_semaphore, #tpu.memory_space<semaphore_mem>>) src(%dma_wait3A_54 : memref<128xi32, #tpu.memory_space<hbm>>) dst(%arg12 : memref<128xi32, #tpu.memory_space<vmem>>)
    %add3A_55 = arith.constant 128 : i32
    %add3A_56 = arith.addi %mul3A_2, %add3A_55 : i32
    %dma_start3A_57 = arith.constant 0 : i32
    %dma_start3A_58 = tpu.memref_slice %arg4[%add3A_56, %dma_start3A_57] : memref<16384x256xf32, #tpu.memory_space<hbm>> -> memref<128x128xf32, #tpu.memory_space<hbm>>
    %dma_start3A_59 = arith.constant 0 : i32
    %dma_start3A_60 = tpu.memref_slice %arg4[%add3A_56, %dma_start3A_59] : memref<16384x256xf32, #tpu.memory_space<hbm>> -> memref<128x128xf32, #tpu.memory_space<hbm>>
    tpu.enqueue_dma source(%dma_start3A_60 : memref<128x128xf32, #tpu.memory_space<hbm>>) target(%arg9 : memref<128x128xf32, #tpu.memory_space<vmem>>) target_semaphore(%arg18 : memref<!tpu.dma_semaphore, #tpu.memory_space<semaphore_mem>>)
    %dma_start3A_61 = arith.constant 128 : i32
    %dma_start3A_62 = tpu.memref_slice %arg4[%add3A_56, %dma_start3A_61] : memref<16384x256xf32, #tpu.memory_space<hbm>> -> memref<128x128xf32, #tpu.memory_space<hbm>>
    %dma_start3A_63 = arith.constant 128 : i32
    %dma_start3A_64 = tpu.memref_slice %arg4[%add3A_56, %dma_start3A_63] : memref<16384x256xf32, #tpu.memory_space<hbm>> -> memref<128x128xf32, #tpu.memory_space<hbm>>
    tpu.enqueue_dma source(%dma_start3A_64 : memref<128x128xf32, #tpu.memory_space<hbm>>) target(%arg11 : memref<128x128xf32, #tpu.memory_space<vmem>>) target_semaphore(%arg18 : memref<!tpu.dma_semaphore, #tpu.memory_space<semaphore_mem>>)
    %dma_start3A_65 = arith.constant 0 : i32
    %dma_start3A_66 = tpu.memref_slice %arg3[%add3A_56, %dma_start3A_65] : memref<16384x16xf32, #tpu.memory_space<hbm>> -> memref<128x16xf32, #tpu.memory_space<hbm>>
    %dma_start3A_67 = arith.constant 0 : i32
    %dma_start3A_68 = tpu.memref_slice %arg3[%add3A_56, %dma_start3A_67] : memref<16384x16xf32, #tpu.memory_space<hbm>> -> memref<128x16xf32, #tpu.memory_space<hbm>>
    tpu.enqueue_dma source(%dma_start3A_68 : memref<128x16xf32, #tpu.memory_space<hbm>>) target(%arg7 : memref<128x16xf32, #tpu.memory_space<vmem>>) target_semaphore(%arg18 : memref<!tpu.dma_semaphore, #tpu.memory_space<semaphore_mem>>)
    %dma_start3A_69 = tpu.memref_slice %arg2[%add3A_56] : memref<16384xi32, #tpu.memory_space<hbm>> -> memref<128xi32, #tpu.memory_space<hbm>>
    %dma_start3A_70 = tpu.memref_slice %arg2[%add3A_56] : memref<16384xi32, #tpu.memory_space<hbm>> -> memref<128xi32, #tpu.memory_space<hbm>>
    tpu.enqueue_dma source(%dma_start3A_70 : memref<128xi32, #tpu.memory_space<hbm>>) target(%arg13 : memref<128xi32, #tpu.memory_space<vmem>>) target_semaphore(%arg18 : memref<!tpu.dma_semaphore, #tpu.memory_space<semaphore_mem>>)
    %scan3A_71 = arith.constant 0 : i32
    %scan3A_72 = arith.constant 0 : i32
    %scan3A_73 = arith.constant 128 : i32
    %scan3A_74 = arith.addi %scan3A_72, %scan3A_73 : i32
    %scan3A_75 = arith.constant 1 : i32
    %scan3A_76 = scf.for %scan3A_222 = %scan3A_72 to %scan3A_74 step %scan3A_75 iter_args(%scan3A_223 = %scan3A_71) -> (i32)  : i32 {
      %get3A = arith.index_cast %scan3A_222 : i32 to index
      %get3A_224 = arith.constant 0 : index
      %get3A_225 = tpu.vector_load %arg6[%get3A, %get3A_224] {strides = array<i32>} : memref<128x16xf32, #tpu.memory_space<vmem>>, vector<1x16xf32>,
      %get3A_226 = vector.shape_cast %get3A_225 : vector<1x16xf32> to vector<16xf32>
      %get3A_227 = arith.index_cast %scan3A_222 : i32 to index
      %get3A_228 = arith.constant 0 : index
      %get3A_229 = tpu.vector_load %arg8[%get3A_227, %get3A_228] {strides = array<i32>} : memref<128x128xf32, #tpu.memory_space<vmem>>, vector<1x16xf32>,
      %get3A_230 = vector.shape_cast %get3A_229 : vector<1x16xf32> to vector<16xf32>
      %mul3A_231 = arith.mulf %get3A_230, %get3A_226 : vector<16xf32>
      %swap3A = arith.index_cast %scan3A_222 : i32 to index
      %swap3A_232 = arith.constant 0 : index
      %swap3A_233 = tpu.vector_load %arg8[%swap3A, %swap3A_232] {strides = array<i32>} : memref<128x128xf32, #tpu.memory_space<vmem>>, vector<1x16xf32>,
      %swap3A_234 = vector.shape_cast %swap3A_233 : vector<1x16xf32> to vector<16xf32>
      %swap3A_235 = vector.shape_cast %mul3A_231 : vector<16xf32> to vector<1x16xf32>
      tpu.vector_store %arg8[%swap3A, %swap3A_232], %swap3A_235 {strides = array<i32>} : memref<128x128xf32, #tpu.memory_space<vmem>>, vector<1x16xf32>,
      %get3A_236 = arith.index_cast %scan3A_222 : i32 to index
      %get3A_237 = arith.constant 0 : index
      %get3A_238 = tpu.vector_load %arg10[%get3A_236, %get3A_237] {strides = array<i32>} : memref<128x128xf32, #tpu.memory_space<vmem>>, vector<1x16xf32>,
      %get3A_239 = vector.shape_cast %get3A_238 : vector<1x16xf32> to vector<16xf32>
      %mul3A_240 = arith.mulf %get3A_239, %get3A_226 : vector<16xf32>
      %swap3A_241 = arith.index_cast %scan3A_222 : i32 to index
      %swap3A_242 = arith.constant 0 : index
      %swap3A_243 = tpu.vector_load %arg10[%swap3A_241, %swap3A_242] {strides = array<i32>} : memref<128x128xf32, #tpu.memory_space<vmem>>, vector<1x16xf32>,
      %swap3A_244 = vector.shape_cast %swap3A_243 : vector<1x16xf32> to vector<16xf32>
      %swap3A_245 = vector.shape_cast %mul3A_240 : vector<16xf32> to vector<1x16xf32>
      tpu.vector_store %arg10[%swap3A_241, %swap3A_242], %swap3A_245 {strides = array<i32>} : memref<128x128xf32, #tpu.memory_space<vmem>>, vector<1x16xf32>,
      %get3A_246 = arith.index_cast %scan3A_222 : i32 to index
      %get3A_247 = arith.constant 16 : index
      %get3A_248 = tpu.vector_load %arg8[%get3A_246, %get3A_247] {strides = array<i32>} : memref<128x128xf32, #tpu.memory_space<vmem>>, vector<1x16xf32>,
      %get3A_249 = vector.shape_cast %get3A_248 : vector<1x16xf32> to vector<16xf32>
      %mul3A_250 = arith.mulf %get3A_249, %get3A_226 : vector<16xf32>
      %swap3A_251 = arith.index_cast %scan3A_222 : i32 to index
      %swap3A_252 = arith.constant 16 : index
      %swap3A_253 = tpu.vector_load %arg8[%swap3A_251, %swap3A_252] {strides = array<i32>} : memref<128x128xf32, #tpu.memory_space<vmem>>, vector<1x16xf32>,
      %swap3A_254 = vector.shape_cast %swap3A_253 : vector<1x16xf32> to vector<16xf32>
      %swap3A_255 = vector.shape_cast %mul3A_250 : vector<16xf32> to vector<1x16xf32>
      tpu.vector_store %arg8[%swap3A_251, %swap3A_252], %swap3A_255 {strides = array<i32>} : memref<128x128xf32, #tpu.memory_space<vmem>>, vector<1x16xf32>,
      %get3A_256 = arith.index_cast %scan3A_222 : i32 to index
      %get3A_257 = arith.constant 16 : index
      %get3A_258 = tpu.vector_load %arg10[%get3A_256, %get3A_257] {strides = array<i32>} : memref<128x128xf32, #tpu.memory_space<vmem>>, vector<1x16xf32>,
      %get3A_259 = vector.shape_cast %get3A_258 : vector<1x16xf32> to vector<16xf32>
      %mul3A_260 = arith.mulf %get3A_259, %get3A_226 : vector<16xf32>
      %swap3A_261 = arith.index_cast %scan3A_222 : i32 to index
      %swap3A_262 = arith.constant 16 : index
      %swap3A_263 = tpu.vector_load %arg10[%swap3A_261, %swap3A_262] {strides = array<i32>} : memref<128x128xf32, #tpu.memory_space<vmem>>, vector<1x16xf32>,
      %swap3A_264 = vector.shape_cast %swap3A_263 : vector<1x16xf32> to vector<16xf32>
      %swap3A_265 = vector.shape_cast %mul3A_260 : vector<16xf32> to vector<1x16xf32>
      tpu.vector_store %arg10[%swap3A_261, %swap3A_262], %swap3A_265 {strides = array<i32>} : memref<128x128xf32, #tpu.memory_space<vmem>>, vector<1x16xf32>,
      %get3A_266 = arith.index_cast %scan3A_222 : i32 to index
      %get3A_267 = arith.constant 32 : index
      %get3A_268 = tpu.vector_load %arg8[%get3A_266, %get3A_267] {strides = array<i32>} : memref<128x128xf32, #tpu.memory_space<vmem>>, vector<1x16xf32>,
      %get3A_269 = vector.shape_cast %get3A_268 : vector<1x16xf32> to vector<16xf32>
      %mul3A_270 = arith.mulf %get3A_269, %get3A_226 : vector<16xf32>
      %swap3A_271 = arith.index_cast %scan3A_222 : i32 to index
      %swap3A_272 = arith.constant 32 : index
      %swap3A_273 = tpu.vector_load %arg8[%swap3A_271, %swap3A_272] {strides = array<i32>} : memref<128x128xf32, #tpu.memory_space<vmem>>, vector<1x16xf32>,
      %swap3A_274 = vector.shape_cast %swap3A_273 : vector<1x16xf32> to vector<16xf32>
      %swap3A_275 = vector.shape_cast %mul3A_270 : vector<16xf32> to vector<1x16xf32>
      tpu.vector_store %arg8[%swap3A_271, %swap3A_272], %swap3A_275 {strides = array<i32>} : memref<128x128xf32, #tpu.memory_space<vmem>>, vector<1x16xf32>,
      %get3A_276 = arith.index_cast %scan3A_222 : i32 to index
      %get3A_277 = arith.constant 32 : index
      %get3A_278 = tpu.vector_load %arg10[%get3A_276, %get3A_277] {strides = array<i32>} : memref<128x128xf32, #tpu.memory_space<vmem>>, vector<1x16xf32>,
      %get3A_279 = vector.shape_cast %get3A_278 : vector<1x16xf32> to vector<16xf32>
      %mul3A_280 = arith.mulf %get3A_279, %get3A_226 : vector<16xf32>
      %swap3A_281 = arith.index_cast %scan3A_222 : i32 to index
      %swap3A_282 = arith.constant 32 : index
      %swap3A_283 = tpu.vector_load %arg10[%swap3A_281, %swap3A_282] {strides = array<i32>} : memref<128x128xf32, #tpu.memory_space<vmem>>, vector<1x16xf32>,
      %swap3A_284 = vector.shape_cast %swap3A_283 : vector<1x16xf32> to vector<16xf32>
      %swap3A_285 = vector.shape_cast %mul3A_280 : vector<16xf32> to vector<1x16xf32>
      tpu.vector_store %arg10[%swap3A_281, %swap3A_282], %swap3A_285 {strides = array<i32>} : memref<128x128xf32, #tpu.memory_space<vmem>>, vector<1x16xf32>,
      %get3A_286 = arith.index_cast %scan3A_222 : i32 to index
      %get3A_287 = arith.constant 48 : index
      %get3A_288 = tpu.vector_load %arg8[%get3A_286, %get3A_287] {strides = array<i32>} : memref<128x128xf32, #tpu.memory_space<vmem>>, vector<1x16xf32>,
      %get3A_289 = vector.shape_cast %get3A_288 : vector<1x16xf32> to vector<16xf32>
      %mul3A_290 = arith.mulf %get3A_289, %get3A_226 : vector<16xf32>
      %swap3A_291 = arith.index_cast %scan3A_222 : i32 to index
      %swap3A_292 = arith.constant 48 : index
      %swap3A_293 = tpu.vector_load %arg8[%swap3A_291, %swap3A_292] {strides = array<i32>} : memref<128x128xf32, #tpu.memory_space<vmem>>, vector<1x16xf32>,
      %swap3A_294 = vector.shape_cast %swap3A_293 : vector<1x16xf32> to vector<16xf32>
      %swap3A_295 = vector.shape_cast %mul3A_290 : vector<16xf32> to vector<1x16xf32>
      tpu.vector_store %arg8[%swap3A_291, %swap3A_292], %swap3A_295 {strides = array<i32>} : memref<128x128xf32, #tpu.memory_space<vmem>>, vector<1x16xf32>,
      %get3A_296 = arith.index_cast %scan3A_222 : i32 to index
      %get3A_297 = arith.constant 48 : index
      %get3A_298 = tpu.vector_load %arg10[%get3A_296, %get3A_297] {strides = array<i32>} : memref<128x128xf32, #tpu.memory_space<vmem>>, vector<1x16xf32>,
      %get3A_299 = vector.shape_cast %get3A_298 : vector<1x16xf32> to vector<16xf32>
      %mul3A_300 = arith.mulf %get3A_299, %get3A_226 : vector<16xf32>
      %swap3A_301 = arith.index_cast %scan3A_222 : i32 to index
      %swap3A_302 = arith.constant 48 : index
      %swap3A_303 = tpu.vector_load %arg10[%swap3A_301, %swap3A_302] {strides = array<i32>} : memref<128x128xf32, #tpu.memory_space<vmem>>, vector<1x16xf32>,
      %swap3A_304 = vector.shape_cast %swap3A_303 : vector<1x16xf32> to vector<16xf32>
      %swap3A_305 = vector.shape_cast %mul3A_300 : vector<16xf32> to vector<1x16xf32>
      tpu.vector_store %arg10[%swap3A_301, %swap3A_302], %swap3A_305 {strides = array<i32>} : memref<128x128xf32, #tpu.memory_space<vmem>>, vector<1x16xf32>,
      %get3A_306 = arith.index_cast %scan3A_222 : i32 to index
      %get3A_307 = arith.constant 64 : index
      %get3A_308 = tpu.vector_load %arg8[%get3A_306, %get3A_307] {strides = array<i32>} : memref<128x128xf32, #tpu.memory_space<vmem>>, vector<1x16xf32>,
      %get3A_309 = vector.shape_cast %get3A_308 : vector<1x16xf32> to vector<16xf32>
      %mul3A_310 = arith.mulf %get3A_309, %get3A_226 : vector<16xf32>
      %swap3A_311 = arith.index_cast %scan3A_222 : i32 to index
      %swap3A_312 = arith.constant 64 : index
      %swap3A_313 = tpu.vector_load %arg8[%swap3A_311, %swap3A_312] {strides = array<i32>} : memref<128x128xf32, #tpu.memory_space<vmem>>, vector<1x16xf32>,
      %swap3A_314 = vector.shape_cast %swap3A_313 : vector<1x16xf32> to vector<16xf32>
      %swap3A_315 = vector.shape_cast %mul3A_310 : vector<16xf32> to vector<1x16xf32>
      tpu.vector_store %arg8[%swap3A_311, %swap3A_312], %swap3A_315 {strides = array<i32>} : memref<128x128xf32, #tpu.memory_space<vmem>>, vector<1x16xf32>,
      %get3A_316 = arith.index_cast %scan3A_222 : i32 to index
      %get3A_317 = arith.constant 64 : index
      %get3A_318 = tpu.vector_load %arg10[%get3A_316, %get3A_317] {strides = array<i32>} : memref<128x128xf32, #tpu.memory_space<vmem>>, vector<1x16xf32>,
      %get3A_319 = vector.shape_cast %get3A_318 : vector<1x16xf32> to vector<16xf32>
      %mul3A_320 = arith.mulf %get3A_319, %get3A_226 : vector<16xf32>
      %swap3A_321 = arith.index_cast %scan3A_222 : i32 to index
      %swap3A_322 = arith.constant 64 : index
      %swap3A_323 = tpu.vector_load %arg10[%swap3A_321, %swap3A_322] {strides = array<i32>} : memref<128x128xf32, #tpu.memory_space<vmem>>, vector<1x16xf32>,
      %swap3A_324 = vector.shape_cast %swap3A_323 : vector<1x16xf32> to vector<16xf32>
      %swap3A_325 = vector.shape_cast %mul3A_320 : vector<16xf32> to vector<1x16xf32>
      tpu.vector_store %arg10[%swap3A_321, %swap3A_322], %swap3A_325 {strides = array<i32>} : memref<128x128xf32, #tpu.memory_space<vmem>>, vector<1x16xf32>,
      %get3A_326 = arith.index_cast %scan3A_222 : i32 to index
      %get3A_327 = arith.constant 80 : index
      %get3A_328 = tpu.vector_load %arg8[%get3A_326, %get3A_327] {strides = array<i32>} : memref<128x128xf32, #tpu.memory_space<vmem>>, vector<1x16xf32>,
      %get3A_329 = vector.shape_cast %get3A_328 : vector<1x16xf32> to vector<16xf32>
      %mul3A_330 = arith.mulf %get3A_329, %get3A_226 : vector<16xf32>
      %swap3A_331 = arith.index_cast %scan3A_222 : i32 to index
      %swap3A_332 = arith.constant 80 : index
      %swap3A_333 = tpu.vector_load %arg8[%swap3A_331, %swap3A_332] {strides = array<i32>} : memref<128x128xf32, #tpu.memory_space<vmem>>, vector<1x16xf32>,
      %swap3A_334 = vector.shape_cast %swap3A_333 : vector<1x16xf32> to vector<16xf32>
      %swap3A_335 = vector.shape_cast %mul3A_330 : vector<16xf32> to vector<1x16xf32>
      tpu.vector_store %arg8[%swap3A_331, %swap3A_332], %swap3A_335 {strides = array<i32>} : memref<128x128xf32, #tpu.memory_space<vmem>>, vector<1x16xf32>,
      %get3A_336 = arith.index_cast %scan3A_222 : i32 to index
      %get3A_337 = arith.constant 80 : index
      %get3A_338 = tpu.vector_load %arg10[%get3A_336, %get3A_337] {strides = array<i32>} : memref<128x128xf32, #tpu.memory_space<vmem>>, vector<1x16xf32>,
      %get3A_339 = vector.shape_cast %get3A_338 : vector<1x16xf32> to vector<16xf32>
      %mul3A_340 = arith.mulf %get3A_339, %get3A_226 : vector<16xf32>
      %swap3A_341 = arith.index_cast %scan3A_222 : i32 to index
      %swap3A_342 = arith.constant 80 : index
      %swap3A_343 = tpu.vector_load %arg10[%swap3A_341, %swap3A_342] {strides = array<i32>} : memref<128x128xf32, #tpu.memory_space<vmem>>, vector<1x16xf32>,
      %swap3A_344 = vector.shape_cast %swap3A_343 : vector<1x16xf32> to vector<16xf32>
      %swap3A_345 = vector.shape_cast %mul3A_340 : vector<16xf32> to vector<1x16xf32>
      tpu.vector_store %arg10[%swap3A_341, %swap3A_342], %swap3A_345 {strides = array<i32>} : memref<128x128xf32, #tpu.memory_space<vmem>>, vector<1x16xf32>,
      %get3A_346 = arith.index_cast %scan3A_222 : i32 to index
      %get3A_347 = arith.constant 96 : index
      %get3A_348 = tpu.vector_load %arg8[%get3A_346, %get3A_347] {strides = array<i32>} : memref<128x128xf32, #tpu.memory_space<vmem>>, vector<1x16xf32>,
      %get3A_349 = vector.shape_cast %get3A_348 : vector<1x16xf32> to vector<16xf32>
      %mul3A_350 = arith.mulf %get3A_349, %get3A_226 : vector<16xf32>
      %swap3A_351 = arith.index_cast %scan3A_222 : i32 to index
      %swap3A_352 = arith.constant 96 : index
      %swap3A_353 = tpu.vector_load %arg8[%swap3A_351, %swap3A_352] {strides = array<i32>} : memref<128x128xf32, #tpu.memory_space<vmem>>, vector<1x16xf32>,
      %swap3A_354 = vector.shape_cast %swap3A_353 : vector<1x16xf32> to vector<16xf32>
      %swap3A_355 = vector.shape_cast %mul3A_350 : vector<16xf32> to vector<1x16xf32>
      tpu.vector_store %arg8[%swap3A_351, %swap3A_352], %swap3A_355 {strides = array<i32>} : memref<128x128xf32, #tpu.memory_space<vmem>>, vector<1x16xf32>,
      %get3A_356 = arith.index_cast %scan3A_222 : i32 to index
      %get3A_357 = arith.constant 96 : index
      %get3A_358 = tpu.vector_load %arg10[%get3A_356, %get3A_357] {strides = array<i32>} : memref<128x128xf32, #tpu.memory_space<vmem>>, vector<1x16xf32>,
      %get3A_359 = vector.shape_cast %get3A_358 : vector<1x16xf32> to vector<16xf32>
      %mul3A_360 = arith.mulf %get3A_359, %get3A_226 : vector<16xf32>
      %swap3A_361 = arith.index_cast %scan3A_222 : i32 to index
      %swap3A_362 = arith.constant 96 : index
      %swap3A_363 = tpu.vector_load %arg10[%swap3A_361, %swap3A_362] {strides = array<i32>} : memref<128x128xf32, #tpu.memory_space<vmem>>, vector<1x16xf32>,
      %swap3A_364 = vector.shape_cast %swap3A_363 : vector<1x16xf32> to vector<16xf32>
      %swap3A_365 = vector.shape_cast %mul3A_360 : vector<16xf32> to vector<1x16xf32>
      tpu.vector_store %arg10[%swap3A_361, %swap3A_362], %swap3A_365 {strides = array<i32>} : memref<128x128xf32, #tpu.memory_space<vmem>>, vector<1x16xf32>,
      %get3A_366 = arith.index_cast %scan3A_222 : i32 to index
      %get3A_367 = arith.constant 112 : index
      %get3A_368 = tpu.vector_load %arg8[%get3A_366, %get3A_367] {strides = array<i32>} : memref<128x128xf32, #tpu.memory_space<vmem>>, vector<1x16xf32>,
      %get3A_369 = vector.shape_cast %get3A_368 : vector<1x16xf32> to vector<16xf32>
      %mul3A_370 = arith.mulf %get3A_369, %get3A_226 : vector<16xf32>
      %swap3A_371 = arith.index_cast %scan3A_222 : i32 to index
      %swap3A_372 = arith.constant 112 : index
      %swap3A_373 = tpu.vector_load %arg8[%swap3A_371, %swap3A_372] {strides = array<i32>} : memref<128x128xf32, #tpu.memory_space<vmem>>, vector<1x16xf32>,
      %swap3A_374 = vector.shape_cast %swap3A_373 : vector<1x16xf32> to vector<16xf32>
      %swap3A_375 = vector.shape_cast %mul3A_370 : vector<16xf32> to vector<1x16xf32>
      tpu.vector_store %arg8[%swap3A_371, %swap3A_372], %swap3A_375 {strides = array<i32>} : memref<128x128xf32, #tpu.memory_space<vmem>>, vector<1x16xf32>,
      %get3A_376 = arith.index_cast %scan3A_222 : i32 to index
      %get3A_377 = arith.constant 112 : index
      %get3A_378 = tpu.vector_load %arg10[%get3A_376, %get3A_377] {strides = array<i32>} : memref<128x128xf32, #tpu.memory_space<vmem>>, vector<1x16xf32>,
      %get3A_379 = vector.shape_cast %get3A_378 : vector<1x16xf32> to vector<16xf32>
      %mul3A_380 = arith.mulf %get3A_379, %get3A_226 : vector<16xf32>
      %swap3A_381 = arith.index_cast %scan3A_222 : i32 to index
      %swap3A_382 = arith.constant 112 : index
      %swap3A_383 = tpu.vector_load %arg10[%swap3A_381, %swap3A_382] {strides = array<i32>} : memref<128x128xf32, #tpu.memory_space<vmem>>, vector<1x16xf32>,
      %swap3A_384 = vector.shape_cast %swap3A_383 : vector<1x16xf32> to vector<16xf32>
      %swap3A_385 = vector.shape_cast %mul3A_380 : vector<16xf32> to vector<1x16xf32>
      tpu.vector_store %arg10[%swap3A_381, %swap3A_382], %swap3A_385 {strides = array<i32>} : memref<128x128xf32, #tpu.memory_space<vmem>>, vector<1x16xf32>,
      %scan3A_386 = arith.constant 0 : i32
      scf.yield %scan3A_386 : i32
    }
    %scan3A_77 = arith.constant 128 : i32
    %dma_start3A_78 = arith.constant 0 : i32
    %dma_start3A_79 = arith.constant 0 : i32
    %dma_start3A_80 = tpu.memref_slice %arg15[%dma_start3A_78, %dma_start3A_79] : memref<1024x128xf32, #tpu.memory_space<vmem_shared>> -> memref<1024x128xf32, #tpu.memory_space<vmem_shared>>
    tpu.enqueue_indirect_dma source(%arg8 : memref<128x128xf32, #tpu.memory_space<vmem>>) target(%dma_start3A_80 : memref<1024x128xf32, #tpu.memory_space<vmem_shared>>) offsets(%arg12 : memref<128xi32, #tpu.memory_space<vmem>>) semaphore(%arg19 : memref<!tpu.dma_semaphore, #tpu.memory_space<semaphore_mem>>) {add = true}
    %dma_start3A_81 = arith.constant 0 : i32
    %dma_start3A_82 = arith.constant 0 : i32
    %dma_start3A_83 = tpu.memref_slice %arg16[%dma_start3A_81, %dma_start3A_82] : memref<1024x128xf32, #tpu.memory_space<vmem_shared>> -> memref<1024x128xf32, #tpu.memory_space<vmem_shared>>
    tpu.enqueue_indirect_dma source(%arg10 : memref<128x128xf32, #tpu.memory_space<vmem>>) target(%dma_start3A_83 : memref<1024x128xf32, #tpu.memory_space<vmem_shared>>) offsets(%arg12 : memref<128xi32, #tpu.memory_space<vmem>>) semaphore(%arg19 : memref<!tpu.dma_semaphore, #tpu.memory_space<semaphore_mem>>) {add = true}
    %dma_wait3A_84 = arith.constant 0 : i32
    %dma_wait3A_85 = tpu.memref_slice %arg4[%add3A_56, %dma_wait3A_84] : memref<16384x256xf32, #tpu.memory_space<hbm>> -> memref<128x128xf32, #tpu.memory_space<hbm>>
    %dma_wait3A_86 = arith.constant 0 : i32
    %dma_wait3A_87 = tpu.memref_slice %arg4[%add3A_56, %dma_wait3A_86] : memref<16384x256xf32, #tpu.memory_space<hbm>> -> memref<128x128xf32, #tpu.memory_space<hbm>>
    tpu.wait_dma2 semaphore(%arg18 : memref<!tpu.dma_semaphore, #tpu.memory_space<semaphore_mem>>) src(%dma_wait3A_87 : memref<128x128xf32, #tpu.memory_space<hbm>>) dst(%arg9 : memref<128x128xf32, #tpu.memory_space<vmem>>)
    %dma_wait3A_88 = arith.constant 128 : i32
    %dma_wait3A_89 = tpu.memref_slice %arg4[%add3A_56, %dma_wait3A_88] : memref<16384x256xf32, #tpu.memory_space<hbm>> -> memref<128x128xf32, #tpu.memory_space<hbm>>
    %dma_wait3A_90 = arith.constant 128 : i32
    %dma_wait3A_91 = tpu.memref_slice %arg4[%add3A_56, %dma_wait3A_90] : memref<16384x256xf32, #tpu.memory_space<hbm>> -> memref<128x128xf32, #tpu.memory_space<hbm>>
    tpu.wait_dma2 semaphore(%arg18 : memref<!tpu.dma_semaphore, #tpu.memory_space<semaphore_mem>>) src(%dma_wait3A_91 : memref<128x128xf32, #tpu.memory_space<hbm>>) dst(%arg11 : memref<128x128xf32, #tpu.memory_space<vmem>>)
    %dma_wait3A_92 = arith.constant 0 : i32
    %dma_wait3A_93 = tpu.memref_slice %arg3[%add3A_56, %dma_wait3A_92] : memref<16384x16xf32, #tpu.memory_space<hbm>> -> memref<128x16xf32, #tpu.memory_space<hbm>>
    %dma_wait3A_94 = arith.constant 0 : i32
    %dma_wait3A_95 = tpu.memref_slice %arg3[%add3A_56, %dma_wait3A_94] : memref<16384x16xf32, #tpu.memory_space<hbm>> -> memref<128x16xf32, #tpu.memory_space<hbm>>
    tpu.wait_dma2 semaphore(%arg18 : memref<!tpu.dma_semaphore, #tpu.memory_space<semaphore_mem>>) src(%dma_wait3A_95 : memref<128x16xf32, #tpu.memory_space<hbm>>) dst(%arg7 : memref<128x16xf32, #tpu.memory_space<vmem>>)
    %dma_wait3A_96 = tpu.memref_slice %arg2[%add3A_56] : memref<16384xi32, #tpu.memory_space<hbm>> -> memref<128xi32, #tpu.memory_space<hbm>>
    %dma_wait3A_97 = tpu.memref_slice %arg2[%add3A_56] : memref<16384xi32, #tpu.memory_space<hbm>> -> memref<128xi32, #tpu.memory_space<hbm>>
    tpu.wait_dma2 semaphore(%arg18 : memref<!tpu.dma_semaphore, #tpu.memory_space<semaphore_mem>>) src(%dma_wait3A_97 : memref<128xi32, #tpu.memory_space<hbm>>) dst(%arg13 : memref<128xi32, #tpu.memory_space<vmem>>)
    %dma_wait3A_98 = arith.constant 0 : i32
    %dma_wait3A_99 = arith.constant 0 : i32
    %dma_wait3A_100 = tpu.memref_slice %arg15[%dma_wait3A_98, %dma_wait3A_99] : memref<1024x128xf32, #tpu.memory_space<vmem_shared>> -> memref<1024x128xf32, #tpu.memory_space<vmem_shared>>
    tpu.wait_indirect_dma semaphore(%arg19 : memref<!tpu.dma_semaphore, #tpu.memory_space<semaphore_mem>>) src(%arg8 : memref<128x128xf32, #tpu.memory_space<vmem>>) dst(%dma_wait3A_100 : memref<1024x128xf32, #tpu.memory_space<vmem_shared>>)
    %dma_wait3A_101 = arith.constant 0 : i32
    %dma_wait3A_102 = arith.constant 0 : i32
    %dma_wait3A_103 = tpu.memref_slice %arg16[%dma_wait3A_101, %dma_wait3A_102] : memref<1024x128xf32, #tpu.memory_space<vmem_shared>> -> memref<1024x128xf32, #tpu.memory_space<vmem_shared>>
    tpu.wait_indirect_dma semaphore(%arg19 : memref<!tpu.dma_semaphore, #tpu.memory_space<semaphore_mem>>) src(%arg10 : memref<128x128xf32, #tpu.memory_space<vmem>>) dst(%dma_wait3A_103 : memref<1024x128xf32, #tpu.memory_space<vmem_shared>>)
    %add3A_104 = arith.constant 256 : i32
    %add3A_105 = arith.addi %mul3A_2, %add3A_104 : i32
    %dma_start3A_106 = arith.constant 0 : i32
    %dma_start3A_107 = tpu.memref_slice %arg4[%add3A_105, %dma_start3A_106] : memref<16384x256xf32, #tpu.memory_space<hbm>> -> memref<128x128xf32, #tpu.memory_space<hbm>>
    %dma_start3A_108 = arith.constant 0 : i32
    %dma_start3A_109 = tpu.memref_slice %arg4[%add3A_105, %dma_start3A_108] : memref<16384x256xf32, #tpu.memory_space<hbm>> -> memref<128x128xf32, #tpu.memory_space<hbm>>
    tpu.enqueue_dma source(%dma_start3A_109 : memref<128x128xf32, #tpu.memory_space<hbm>>) target(%arg8 : memref<128x128xf32, #tpu.memory_space<vmem>>) target_semaphore(%arg17 : memref<!tpu.dma_semaphore, #tpu.memory_space<semaphore_mem>>)
    %dma_start3A_110 = arith.constant 128 : i32
    %dma_start3A_111 = tpu.memref_slice %arg4[%add3A_105, %dma_start3A_110] : memref<16384x256xf32, #tpu.memory_space<hbm>> -> memref<128x128xf32, #tpu.memory_space<hbm>>
    %dma_start3A_112 = arith.constant 128 : i32
    %dma_start3A_113 = tpu.memref_slice %arg4[%add3A_105, %dma_start3A_112] : memref<16384x256xf32, #tpu.memory_space<hbm>> -> memref<128x128xf32, #tpu.memory_space<hbm>>
    tpu.enqueue_dma source(%dma_start3A_113 : memref<128x128xf32, #tpu.memory_space<hbm>>) target(%arg10 : memref<128x128xf32, #tpu.memory_space<vmem>>) target_semaphore(%arg17 : memref<!tpu.dma_semaphore, #tpu.memory_space<semaphore_mem>>)
    %dma_start3A_114 = arith.constant 0 : i32
    %dma_start3A_115 = tpu.memref_slice %arg3[%add3A_105, %dma_start3A_114] : memref<16384x16xf32, #tpu.memory_space<hbm>> -> memref<128x16xf32, #tpu.memory_space<hbm>>
    %dma_start3A_116 = arith.constant 0 : i32
    %dma_start3A_117 = tpu.memref_slice %arg3[%add3A_105, %dma_start3A_116] : memref<16384x16xf32, #tpu.memory_space<hbm>> -> memref<128x16xf32, #tpu.memory_space<hbm>>
    tpu.enqueue_dma source(%dma_start3A_117 : memref<128x16xf32, #tpu.memory_space<hbm>>) target(%arg6 : memref<128x16xf32, #tpu.memory_space<vmem>>) target_semaphore(%arg17 : memref<!tpu.dma_semaphore, #tpu.memory_space<semaphore_mem>>)
    %dma_start3A_118 = tpu.memref_slice %arg2[%add3A_105] : memref<16384xi32, #tpu.memory_space<hbm>> -> memref<128xi32, #tpu.memory_space<hbm>>
    %dma_start3A_119 = tpu.memref_slice %arg2[%add3A_105] : memref<16384xi32, #tpu.memory_space<hbm>> -> memref<128xi32, #tpu.memory_space<hbm>>
    tpu.enqueue_dma source(%dma_start3A_119 : memref<128xi32, #tpu.memory_space<hbm>>) target(%arg12 : memref<128xi32, #tpu.memory_space<vmem>>) target_semaphore(%arg17 : memref<!tpu.dma_semaphore, #tpu.memory_space<semaphore_mem>>)
    %scan3A_120 = arith.constant 0 : i32
    %scan3A_121 = arith.constant 0 : i32
    %scan3A_122 = arith.constant 128 : i32
    %scan3A_123 = arith.addi %scan3A_121, %scan3A_122 : i32
    %scan3A_124 = arith.constant 1 : i32
    %scan3A_125 = scf.for %scan3A_222 = %scan3A_121 to %scan3A_123 step %scan3A_124 iter_args(%scan3A_223 = %scan3A_120) -> (i32)  : i32 {
      %get3A = arith.index_cast %scan3A_222 : i32 to index
      %get3A_224 = arith.constant 0 : index
      %get3A_225 = tpu.vector_load %arg7[%get3A, %get3A_224] {strides = array<i32>} : memref<128x16xf32, #tpu.memory_space<vmem>>, vector<1x16xf32>,
      %get3A_226 = vector.shape_cast %get3A_225 : vector<1x16xf32> to vector<16xf32>
      %get3A_227 = arith.index_cast %scan3A_222 : i32 to index
      %get3A_228 = arith.constant 0 : index
      %get3A_229 = tpu.vector_load %arg9[%get3A_227, %get3A_228] {strides = array<i32>} : memref<128x128xf32, #tpu.memory_space<vmem>>, vector<1x16xf32>,
      %get3A_230 = vector.shape_cast %get3A_229 : vector<1x16xf32> to vector<16xf32>
      %mul3A_231 = arith.mulf %get3A_230, %get3A_226 : vector<16xf32>
      %swap3A = arith.index_cast %scan3A_222 : i32 to index
      %swap3A_232 = arith.constant 0 : index
      %swap3A_233 = tpu.vector_load %arg9[%swap3A, %swap3A_232] {strides = array<i32>} : memref<128x128xf32, #tpu.memory_space<vmem>>, vector<1x16xf32>,
      %swap3A_234 = vector.shape_cast %swap3A_233 : vector<1x16xf32> to vector<16xf32>
      %swap3A_235 = vector.shape_cast %mul3A_231 : vector<16xf32> to vector<1x16xf32>
      tpu.vector_store %arg9[%swap3A, %swap3A_232], %swap3A_235 {strides = array<i32>} : memref<128x128xf32, #tpu.memory_space<vmem>>, vector<1x16xf32>,
      %get3A_236 = arith.index_cast %scan3A_222 : i32 to index
      %get3A_237 = arith.constant 0 : index
      %get3A_238 = tpu.vector_load %arg11[%get3A_236, %get3A_237] {strides = array<i32>} : memref<128x128xf32, #tpu.memory_space<vmem>>, vector<1x16xf32>,
      %get3A_239 = vector.shape_cast %get3A_238 : vector<1x16xf32> to vector<16xf32>
      %mul3A_240 = arith.mulf %get3A_239, %get3A_226 : vector<16xf32>
      %swap3A_241 = arith.index_cast %scan3A_222 : i32 to index
      %swap3A_242 = arith.constant 0 : index
      %swap3A_243 = tpu.vector_load %arg11[%swap3A_241, %swap3A_242] {strides = array<i32>} : memref<128x128xf32, #tpu.memory_space<vmem>>, vector<1x16xf32>,
      %swap3A_244 = vector.shape_cast %swap3A_243 : vector<1x16xf32> to vector<16xf32>
      %swap3A_245 = vector.shape_cast %mul3A_240 : vector<16xf32> to vector<1x16xf32>
      tpu.vector_store %arg11[%swap3A_241, %swap3A_242], %swap3A_245 {strides = array<i32>} : memref<128x128xf32, #tpu.memory_space<vmem>>, vector<1x16xf32>,
      %get3A_246 = arith.index_cast %scan3A_222 : i32 to index
      %get3A_247 = arith.constant 16 : index
      %get3A_248 = tpu.vector_load %arg9[%get3A_246, %get3A_247] {strides = array<i32>} : memref<128x128xf32, #tpu.memory_space<vmem>>, vector<1x16xf32>,
      %get3A_249 = vector.shape_cast %get3A_248 : vector<1x16xf32> to vector<16xf32>
      %mul3A_250 = arith.mulf %get3A_249, %get3A_226 : vector<16xf32>
      %swap3A_251 = arith.index_cast %scan3A_222 : i32 to index
      %swap3A_252 = arith.constant 16 : index
      %swap3A_253 = tpu.vector_load %arg9[%swap3A_251, %swap3A_252] {strides = array<i32>} : memref<128x128xf32, #tpu.memory_space<vmem>>, vector<1x16xf32>,
      %swap3A_254 = vector.shape_cast %swap3A_253 : vector<1x16xf32> to vector<16xf32>
      %swap3A_255 = vector.shape_cast %mul3A_250 : vector<16xf32> to vector<1x16xf32>
      tpu.vector_store %arg9[%swap3A_251, %swap3A_252], %swap3A_255 {strides = array<i32>} : memref<128x128xf32, #tpu.memory_space<vmem>>, vector<1x16xf32>,
      %get3A_256 = arith.index_cast %scan3A_222 : i32 to index
      %get3A_257 = arith.constant 16 : index
      %get3A_258 = tpu.vector_load %arg11[%get3A_256, %get3A_257] {strides = array<i32>} : memref<128x128xf32, #tpu.memory_space<vmem>>, vector<1x16xf32>,
      %get3A_259 = vector.shape_cast %get3A_258 : vector<1x16xf32> to vector<16xf32>
      %mul3A_260 = arith.mulf %get3A_259, %get3A_226 : vector<16xf32>
      %swap3A_261 = arith.index_cast %scan3A_222 : i32 to index
      %swap3A_262 = arith.constant 16 : index
      %swap3A_263 = tpu.vector_load %arg11[%swap3A_261, %swap3A_262] {strides = array<i32>} : memref<128x128xf32, #tpu.memory_space<vmem>>, vector<1x16xf32>,
      %swap3A_264 = vector.shape_cast %swap3A_263 : vector<1x16xf32> to vector<16xf32>
      %swap3A_265 = vector.shape_cast %mul3A_260 : vector<16xf32> to vector<1x16xf32>
      tpu.vector_store %arg11[%swap3A_261, %swap3A_262], %swap3A_265 {strides = array<i32>} : memref<128x128xf32, #tpu.memory_space<vmem>>, vector<1x16xf32>,
      %get3A_266 = arith.index_cast %scan3A_222 : i32 to index
      %get3A_267 = arith.constant 32 : index
      %get3A_268 = tpu.vector_load %arg9[%get3A_266, %get3A_267] {strides = array<i32>} : memref<128x128xf32, #tpu.memory_space<vmem>>, vector<1x16xf32>,
      %get3A_269 = vector.shape_cast %get3A_268 : vector<1x16xf32> to vector<16xf32>
      %mul3A_270 = arith.mulf %get3A_269, %get3A_226 : vector<16xf32>
      %swap3A_271 = arith.index_cast %scan3A_222 : i32 to index
      %swap3A_272 = arith.constant 32 : index
      %swap3A_273 = tpu.vector_load %arg9[%swap3A_271, %swap3A_272] {strides = array<i32>} : memref<128x128xf32, #tpu.memory_space<vmem>>, vector<1x16xf32>,
      %swap3A_274 = vector.shape_cast %swap3A_273 : vector<1x16xf32> to vector<16xf32>
      %swap3A_275 = vector.shape_cast %mul3A_270 : vector<16xf32> to vector<1x16xf32>
      tpu.vector_store %arg9[%swap3A_271, %swap3A_272], %swap3A_275 {strides = array<i32>} : memref<128x128xf32, #tpu.memory_space<vmem>>, vector<1x16xf32>,
      %get3A_276 = arith.index_cast %scan3A_222 : i32 to index
      %get3A_277 = arith.constant 32 : index
      %get3A_278 = tpu.vector_load %arg11[%get3A_276, %get3A_277] {strides = array<i32>} : memref<128x128xf32, #tpu.memory_space<vmem>>, vector<1x16xf32>,
      %get3A_279 = vector.shape_cast %get3A_278 : vector<1x16xf32> to vector<16xf32>
      %mul3A_280 = arith.mulf %get3A_279, %get3A_226 : vector<16xf32>
      %swap3A_281 = arith.index_cast %scan3A_222 : i32 to index
      %swap3A_282 = arith.constant 32 : index
      %swap3A_283 = tpu.vector_load %arg11[%swap3A_281, %swap3A_282] {strides = array<i32>} : memref<128x128xf32, #tpu.memory_space<vmem>>, vector<1x16xf32>,
      %swap3A_284 = vector.shape_cast %swap3A_283 : vector<1x16xf32> to vector<16xf32>
      %swap3A_285 = vector.shape_cast %mul3A_280 : vector<16xf32> to vector<1x16xf32>
      tpu.vector_store %arg11[%swap3A_281, %swap3A_282], %swap3A_285 {strides = array<i32>} : memref<128x128xf32, #tpu.memory_space<vmem>>, vector<1x16xf32>,
      %get3A_286 = arith.index_cast %scan3A_222 : i32 to index
      %get3A_287 = arith.constant 48 : index
      %get3A_288 = tpu.vector_load %arg9[%get3A_286, %get3A_287] {strides = array<i32>} : memref<128x128xf32, #tpu.memory_space<vmem>>, vector<1x16xf32>,
      %get3A_289 = vector.shape_cast %get3A_288 : vector<1x16xf32> to vector<16xf32>
      %mul3A_290 = arith.mulf %get3A_289, %get3A_226 : vector<16xf32>
      %swap3A_291 = arith.index_cast %scan3A_222 : i32 to index
      %swap3A_292 = arith.constant 48 : index
      %swap3A_293 = tpu.vector_load %arg9[%swap3A_291, %swap3A_292] {strides = array<i32>} : memref<128x128xf32, #tpu.memory_space<vmem>>, vector<1x16xf32>,
      %swap3A_294 = vector.shape_cast %swap3A_293 : vector<1x16xf32> to vector<16xf32>
      %swap3A_295 = vector.shape_cast %mul3A_290 : vector<16xf32> to vector<1x16xf32>
      tpu.vector_store %arg9[%swap3A_291, %swap3A_292], %swap3A_295 {strides = array<i32>} : memref<128x128xf32, #tpu.memory_space<vmem>>, vector<1x16xf32>,
      %get3A_296 = arith.index_cast %scan3A_222 : i32 to index
      %get3A_297 = arith.constant 48 : index
      %get3A_298 = tpu.vector_load %arg11[%get3A_296, %get3A_297] {strides = array<i32>} : memref<128x128xf32, #tpu.memory_space<vmem>>, vector<1x16xf32>,
      %get3A_299 = vector.shape_cast %get3A_298 : vector<1x16xf32> to vector<16xf32>
      %mul3A_300 = arith.mulf %get3A_299, %get3A_226 : vector<16xf32>
      %swap3A_301 = arith.index_cast %scan3A_222 : i32 to index
      %swap3A_302 = arith.constant 48 : index
      %swap3A_303 = tpu.vector_load %arg11[%swap3A_301, %swap3A_302] {strides = array<i32>} : memref<128x128xf32, #tpu.memory_space<vmem>>, vector<1x16xf32>,
      %swap3A_304 = vector.shape_cast %swap3A_303 : vector<1x16xf32> to vector<16xf32>
      %swap3A_305 = vector.shape_cast %mul3A_300 : vector<16xf32> to vector<1x16xf32>
      tpu.vector_store %arg11[%swap3A_301, %swap3A_302], %swap3A_305 {strides = array<i32>} : memref<128x128xf32, #tpu.memory_space<vmem>>, vector<1x16xf32>,
      %get3A_306 = arith.index_cast %scan3A_222 : i32 to index
      %get3A_307 = arith.constant 64 : index
      %get3A_308 = tpu.vector_load %arg9[%get3A_306, %get3A_307] {strides = array<i32>} : memref<128x128xf32, #tpu.memory_space<vmem>>, vector<1x16xf32>,
      %get3A_309 = vector.shape_cast %get3A_308 : vector<1x16xf32> to vector<16xf32>
      %mul3A_310 = arith.mulf %get3A_309, %get3A_226 : vector<16xf32>
      %swap3A_311 = arith.index_cast %scan3A_222 : i32 to index
      %swap3A_312 = arith.constant 64 : index
      %swap3A_313 = tpu.vector_load %arg9[%swap3A_311, %swap3A_312] {strides = array<i32>} : memref<128x128xf32, #tpu.memory_space<vmem>>, vector<1x16xf32>,
      %swap3A_314 = vector.shape_cast %swap3A_313 : vector<1x16xf32> to vector<16xf32>
      %swap3A_315 = vector.shape_cast %mul3A_310 : vector<16xf32> to vector<1x16xf32>
      tpu.vector_store %arg9[%swap3A_311, %swap3A_312], %swap3A_315 {strides = array<i32>} : memref<128x128xf32, #tpu.memory_space<vmem>>, vector<1x16xf32>,
      %get3A_316 = arith.index_cast %scan3A_222 : i32 to index
      %get3A_317 = arith.constant 64 : index
      %get3A_318 = tpu.vector_load %arg11[%get3A_316, %get3A_317] {strides = array<i32>} : memref<128x128xf32, #tpu.memory_space<vmem>>, vector<1x16xf32>,
      %get3A_319 = vector.shape_cast %get3A_318 : vector<1x16xf32> to vector<16xf32>
      %mul3A_320 = arith.mulf %get3A_319, %get3A_226 : vector<16xf32>
      %swap3A_321 = arith.index_cast %scan3A_222 : i32 to index
      %swap3A_322 = arith.constant 64 : index
      %swap3A_323 = tpu.vector_load %arg11[%swap3A_321, %swap3A_322] {strides = array<i32>} : memref<128x128xf32, #tpu.memory_space<vmem>>, vector<1x16xf32>,
      %swap3A_324 = vector.shape_cast %swap3A_323 : vector<1x16xf32> to vector<16xf32>
      %swap3A_325 = vector.shape_cast %mul3A_320 : vector<16xf32> to vector<1x16xf32>
      tpu.vector_store %arg11[%swap3A_321, %swap3A_322], %swap3A_325 {strides = array<i32>} : memref<128x128xf32, #tpu.memory_space<vmem>>, vector<1x16xf32>,
      %get3A_326 = arith.index_cast %scan3A_222 : i32 to index
      %get3A_327 = arith.constant 80 : index
      %get3A_328 = tpu.vector_load %arg9[%get3A_326, %get3A_327] {strides = array<i32>} : memref<128x128xf32, #tpu.memory_space<vmem>>, vector<1x16xf32>,
      %get3A_329 = vector.shape_cast %get3A_328 : vector<1x16xf32> to vector<16xf32>
      %mul3A_330 = arith.mulf %get3A_329, %get3A_226 : vector<16xf32>
      %swap3A_331 = arith.index_cast %scan3A_222 : i32 to index
      %swap3A_332 = arith.constant 80 : index
      %swap3A_333 = tpu.vector_load %arg9[%swap3A_331, %swap3A_332] {strides = array<i32>} : memref<128x128xf32, #tpu.memory_space<vmem>>, vector<1x16xf32>,
      %swap3A_334 = vector.shape_cast %swap3A_333 : vector<1x16xf32> to vector<16xf32>
      %swap3A_335 = vector.shape_cast %mul3A_330 : vector<16xf32> to vector<1x16xf32>
      tpu.vector_store %arg9[%swap3A_331, %swap3A_332], %swap3A_335 {strides = array<i32>} : memref<128x128xf32, #tpu.memory_space<vmem>>, vector<1x16xf32>,
      %get3A_336 = arith.index_cast %scan3A_222 : i32 to index
      %get3A_337 = arith.constant 80 : index
      %get3A_338 = tpu.vector_load %arg11[%get3A_336, %get3A_337] {strides = array<i32>} : memref<128x128xf32, #tpu.memory_space<vmem>>, vector<1x16xf32>,
      %get3A_339 = vector.shape_cast %get3A_338 : vector<1x16xf32> to vector<16xf32>
      %mul3A_340 = arith.mulf %get3A_339, %get3A_226 : vector<16xf32>
      %swap3A_341 = arith.index_cast %scan3A_222 : i32 to index
      %swap3A_342 = arith.constant 80 : index
      %swap3A_343 = tpu.vector_load %arg11[%swap3A_341, %swap3A_342] {strides = array<i32>} : memref<128x128xf32, #tpu.memory_space<vmem>>, vector<1x16xf32>,
      %swap3A_344 = vector.shape_cast %swap3A_343 : vector<1x16xf32> to vector<16xf32>
      %swap3A_345 = vector.shape_cast %mul3A_340 : vector<16xf32> to vector<1x16xf32>
      tpu.vector_store %arg11[%swap3A_341, %swap3A_342], %swap3A_345 {strides = array<i32>} : memref<128x128xf32, #tpu.memory_space<vmem>>, vector<1x16xf32>,
      %get3A_346 = arith.index_cast %scan3A_222 : i32 to index
      %get3A_347 = arith.constant 96 : index
      %get3A_348 = tpu.vector_load %arg9[%get3A_346, %get3A_347] {strides = array<i32>} : memref<128x128xf32, #tpu.memory_space<vmem>>, vector<1x16xf32>,
      %get3A_349 = vector.shape_cast %get3A_348 : vector<1x16xf32> to vector<16xf32>
      %mul3A_350 = arith.mulf %get3A_349, %get3A_226 : vector<16xf32>
      %swap3A_351 = arith.index_cast %scan3A_222 : i32 to index
      %swap3A_352 = arith.constant 96 : index
      %swap3A_353 = tpu.vector_load %arg9[%swap3A_351, %swap3A_352] {strides = array<i32>} : memref<128x128xf32, #tpu.memory_space<vmem>>, vector<1x16xf32>,
      %swap3A_354 = vector.shape_cast %swap3A_353 : vector<1x16xf32> to vector<16xf32>
      %swap3A_355 = vector.shape_cast %mul3A_350 : vector<16xf32> to vector<1x16xf32>
      tpu.vector_store %arg9[%swap3A_351, %swap3A_352], %swap3A_355 {strides = array<i32>} : memref<128x128xf32, #tpu.memory_space<vmem>>, vector<1x16xf32>,
      %get3A_356 = arith.index_cast %scan3A_222 : i32 to index
      %get3A_357 = arith.constant 96 : index
      %get3A_358 = tpu.vector_load %arg11[%get3A_356, %get3A_357] {strides = array<i32>} : memref<128x128xf32, #tpu.memory_space<vmem>>, vector<1x16xf32>,
      %get3A_359 = vector.shape_cast %get3A_358 : vector<1x16xf32> to vector<16xf32>
      %mul3A_360 = arith.mulf %get3A_359, %get3A_226 : vector<16xf32>
      %swap3A_361 = arith.index_cast %scan3A_222 : i32 to index
      %swap3A_362 = arith.constant 96 : index
      %swap3A_363 = tpu.vector_load %arg11[%swap3A_361, %swap3A_362] {strides = array<i32>} : memref<128x128xf32, #tpu.memory_space<vmem>>, vector<1x16xf32>,
      %swap3A_364 = vector.shape_cast %swap3A_363 : vector<1x16xf32> to vector<16xf32>
      %swap3A_365 = vector.shape_cast %mul3A_360 : vector<16xf32> to vector<1x16xf32>
      tpu.vector_store %arg11[%swap3A_361, %swap3A_362], %swap3A_365 {strides = array<i32>} : memref<128x128xf32, #tpu.memory_space<vmem>>, vector<1x16xf32>,
      %get3A_366 = arith.index_cast %scan3A_222 : i32 to index
      %get3A_367 = arith.constant 112 : index
      %get3A_368 = tpu.vector_load %arg9[%get3A_366, %get3A_367] {strides = array<i32>} : memref<128x128xf32, #tpu.memory_space<vmem>>, vector<1x16xf32>,
      %get3A_369 = vector.shape_cast %get3A_368 : vector<1x16xf32> to vector<16xf32>
      %mul3A_370 = arith.mulf %get3A_369, %get3A_226 : vector<16xf32>
      %swap3A_371 = arith.index_cast %scan3A_222 : i32 to index
      %swap3A_372 = arith.constant 112 : index
      %swap3A_373 = tpu.vector_load %arg9[%swap3A_371, %swap3A_372] {strides = array<i32>} : memref<128x128xf32, #tpu.memory_space<vmem>>, vector<1x16xf32>,
      %swap3A_374 = vector.shape_cast %swap3A_373 : vector<1x16xf32> to vector<16xf32>
      %swap3A_375 = vector.shape_cast %mul3A_370 : vector<16xf32> to vector<1x16xf32>
      tpu.vector_store %arg9[%swap3A_371, %swap3A_372], %swap3A_375 {strides = array<i32>} : memref<128x128xf32, #tpu.memory_space<vmem>>, vector<1x16xf32>,
      %get3A_376 = arith.index_cast %scan3A_222 : i32 to index
      %get3A_377 = arith.constant 112 : index
      %get3A_378 = tpu.vector_load %arg11[%get3A_376, %get3A_377] {strides = array<i32>} : memref<128x128xf32, #tpu.memory_space<vmem>>, vector<1x16xf32>,
      %get3A_379 = vector.shape_cast %get3A_378 : vector<1x16xf32> to vector<16xf32>
      %mul3A_380 = arith.mulf %get3A_379, %get3A_226 : vector<16xf32>
      %swap3A_381 = arith.index_cast %scan3A_222 : i32 to index
      %swap3A_382 = arith.constant 112 : index
      %swap3A_383 = tpu.vector_load %arg11[%swap3A_381, %swap3A_382] {strides = array<i32>} : memref<128x128xf32, #tpu.memory_space<vmem>>, vector<1x16xf32>,
      %swap3A_384 = vector.shape_cast %swap3A_383 : vector<1x16xf32> to vector<16xf32>
      %swap3A_385 = vector.shape_cast %mul3A_380 : vector<16xf32> to vector<1x16xf32>
      tpu.vector_store %arg11[%swap3A_381, %swap3A_382], %swap3A_385 {strides = array<i32>} : memref<128x128xf32, #tpu.memory_space<vmem>>, vector<1x16xf32>,
      %scan3A_386 = arith.constant 0 : i32
      scf.yield %scan3A_386 : i32
    }
    %scan3A_126 = arith.constant 128 : i32
    %dma_start3A_127 = arith.constant 0 : i32
    %dma_start3A_128 = arith.constant 0 : i32
    %dma_start3A_129 = tpu.memref_slice %arg15[%dma_start3A_127, %dma_start3A_128] : memref<1024x128xf32, #tpu.memory_space<vmem_shared>> -> memref<1024x128xf32, #tpu.memory_space<vmem_shared>>
    tpu.enqueue_indirect_dma source(%arg9 : memref<128x128xf32, #tpu.memory_space<vmem>>) target(%dma_start3A_129 : memref<1024x128xf32, #tpu.memory_space<vmem_shared>>) offsets(%arg13 : memref<128xi32, #tpu.memory_space<vmem>>) semaphore(%arg20 : memref<!tpu.dma_semaphore, #tpu.memory_space<semaphore_mem>>) {add = true}
    %dma_start3A_130 = arith.constant 0 : i32
    %dma_start3A_131 = arith.constant 0 : i32
    %dma_start3A_132 = tpu.memref_slice %arg16[%dma_start3A_130, %dma_start3A_131] : memref<1024x128xf32, #tpu.memory_space<vmem_shared>> -> memref<1024x128xf32, #tpu.memory_space<vmem_shared>>
    tpu.enqueue_indirect_dma source(%arg11 : memref<128x128xf32, #tpu.memory_space<vmem>>) target(%dma_start3A_132 : memref<1024x128xf32, #tpu.memory_space<vmem_shared>>) offsets(%arg13 : memref<128xi32, #tpu.memory_space<vmem>>) semaphore(%arg20 : memref<!tpu.dma_semaphore, #tpu.memory_space<semaphore_mem>>) {add = true}
    %dma_wait3A_133 = arith.constant 0 : i32
    %dma_wait3A_134 = tpu.memref_slice %arg4[%add3A_105, %dma_wait3A_133] : memref<16384x256xf32, #tpu.memory_space<hbm>> -> memref<128x128xf32, #tpu.memory_space<hbm>>
    %dma_wait3A_135 = arith.constant 0 : i32
    %dma_wait3A_136 = tpu.memref_slice %arg4[%add3A_105, %dma_wait3A_135] : memref<16384x256xf32, #tpu.memory_space<hbm>> -> memref<128x128xf32, #tpu.memory_space<hbm>>
    tpu.wait_dma2 semaphore(%arg17 : memref<!tpu.dma_semaphore, #tpu.memory_space<semaphore_mem>>) src(%dma_wait3A_136 : memref<128x128xf32, #tpu.memory_space<hbm>>) dst(%arg8 : memref<128x128xf32, #tpu.memory_space<vmem>>)
    %dma_wait3A_137 = arith.constant 128 : i32
    %dma_wait3A_138 = tpu.memref_slice %arg4[%add3A_105, %dma_wait3A_137] : memref<16384x256xf32, #tpu.memory_space<hbm>> -> memref<128x128xf32, #tpu.memory_space<hbm>>
    %dma_wait3A_139 = arith.constant 128 : i32
    %dma_wait3A_140 = tpu.memref_slice %arg4[%add3A_105, %dma_wait3A_139] : memref<16384x256xf32, #tpu.memory_space<hbm>> -> memref<128x128xf32, #tpu.memory_space<hbm>>
    tpu.wait_dma2 semaphore(%arg17 : memref<!tpu.dma_semaphore, #tpu.memory_space<semaphore_mem>>) src(%dma_wait3A_140 : memref<128x128xf32, #tpu.memory_space<hbm>>) dst(%arg10 : memref<128x128xf32, #tpu.memory_space<vmem>>)
    %dma_wait3A_141 = arith.constant 0 : i32
    %dma_wait3A_142 = tpu.memref_slice %arg3[%add3A_105, %dma_wait3A_141] : memref<16384x16xf32, #tpu.memory_space<hbm>> -> memref<128x16xf32, #tpu.memory_space<hbm>>
    %dma_wait3A_143 = arith.constant 0 : i32
    %dma_wait3A_144 = tpu.memref_slice %arg3[%add3A_105, %dma_wait3A_143] : memref<16384x16xf32, #tpu.memory_space<hbm>> -> memref<128x16xf32, #tpu.memory_space<hbm>>
    tpu.wait_dma2 semaphore(%arg17 : memref<!tpu.dma_semaphore, #tpu.memory_space<semaphore_mem>>) src(%dma_wait3A_144 : memref<128x16xf32, #tpu.memory_space<hbm>>) dst(%arg6 : memref<128x16xf32, #tpu.memory_space<vmem>>)
    %dma_wait3A_145 = tpu.memref_slice %arg2[%add3A_105] : memref<16384xi32, #tpu.memory_space<hbm>> -> memref<128xi32, #tpu.memory_space<hbm>>
    %dma_wait3A_146 = tpu.memref_slice %arg2[%add3A_105] : memref<16384xi32, #tpu.memory_space<hbm>> -> memref<128xi32, #tpu.memory_space<hbm>>
    tpu.wait_dma2 semaphore(%arg17 : memref<!tpu.dma_semaphore, #tpu.memory_space<semaphore_mem>>) src(%dma_wait3A_146 : memref<128xi32, #tpu.memory_space<hbm>>) dst(%arg12 : memref<128xi32, #tpu.memory_space<vmem>>)
    %dma_wait3A_147 = arith.constant 0 : i32
    %dma_wait3A_148 = arith.constant 0 : i32
    %dma_wait3A_149 = tpu.memref_slice %arg15[%dma_wait3A_147, %dma_wait3A_148] : memref<1024x128xf32, #tpu.memory_space<vmem_shared>> -> memref<1024x128xf32, #tpu.memory_space<vmem_shared>>
    tpu.wait_indirect_dma semaphore(%arg20 : memref<!tpu.dma_semaphore, #tpu.memory_space<semaphore_mem>>) src(%arg9 : memref<128x128xf32, #tpu.memory_space<vmem>>) dst(%dma_wait3A_149 : memref<1024x128xf32, #tpu.memory_space<vmem_shared>>)
    %dma_wait3A_150 = arith.constant 0 : i32
    %dma_wait3A_151 = arith.constant 0 : i32
    %dma_wait3A_152 = tpu.memref_slice %arg16[%dma_wait3A_150, %dma_wait3A_151] : memref<1024x128xf32, #tpu.memory_space<vmem_shared>> -> memref<1024x128xf32, #tpu.memory_space<vmem_shared>>
    tpu.wait_indirect_dma semaphore(%arg20 : memref<!tpu.dma_semaphore, #tpu.memory_space<semaphore_mem>>) src(%arg11 : memref<128x128xf32, #tpu.memory_space<vmem>>) dst(%dma_wait3A_152 : memref<1024x128xf32, #tpu.memory_space<vmem_shared>>)
    %add3A_153 = arith.constant 384 : i32
    %add3A_154 = arith.addi %mul3A_2, %add3A_153 : i32
    %dma_start3A_155 = arith.constant 0 : i32
    %dma_start3A_156 = tpu.memref_slice %arg4[%add3A_154, %dma_start3A_155] : memref<16384x256xf32, #tpu.memory_space<hbm>> -> memref<128x128xf32, #tpu.memory_space<hbm>>
    %dma_start3A_157 = arith.constant 0 : i32
    %dma_start3A_158 = tpu.memref_slice %arg4[%add3A_154, %dma_start3A_157] : memref<16384x256xf32, #tpu.memory_space<hbm>> -> memref<128x128xf32, #tpu.memory_space<hbm>>
    tpu.enqueue_dma source(%dma_start3A_158 : memref<128x128xf32, #tpu.memory_space<hbm>>) target(%arg9 : memref<128x128xf32, #tpu.memory_space<vmem>>) target_semaphore(%arg18 : memref<!tpu.dma_semaphore, #tpu.memory_space<semaphore_mem>>)
    %dma_start3A_159 = arith.constant 128 : i32
    %dma_start3A_160 = tpu.memref_slice %arg4[%add3A_154, %dma_start3A_159] : memref<16384x256xf32, #tpu.memory_space<hbm>> -> memref<128x128xf32, #tpu.memory_space<hbm>>
    %dma_start3A_161 = arith.constant 128 : i32
    %dma_start3A_162 = tpu.memref_slice %arg4[%add3A_154, %dma_start3A_161] : memref<16384x256xf32, #tpu.memory_space<hbm>> -> memref<128x128xf32, #tpu.memory_space<hbm>>
    tpu.enqueue_dma source(%dma_start3A_162 : memref<128x128xf32, #tpu.memory_space<hbm>>) target(%arg11 : memref<128x128xf32, #tpu.memory_space<vmem>>) target_semaphore(%arg18 : memref<!tpu.dma_semaphore, #tpu.memory_space<semaphore_mem>>)
    %dma_start3A_163 = arith.constant 0 : i32
    %dma_start3A_164 = tpu.memref_slice %arg3[%add3A_154, %dma_start3A_163] : memref<16384x16xf32, #tpu.memory_space<hbm>> -> memref<128x16xf32, #tpu.memory_space<hbm>>
    %dma_start3A_165 = arith.constant 0 : i32
    %dma_start3A_166 = tpu.memref_slice %arg3[%add3A_154, %dma_start3A_165] : memref<16384x16xf32, #tpu.memory_space<hbm>> -> memref<128x16xf32, #tpu.memory_space<hbm>>
    tpu.enqueue_dma source(%dma_start3A_166 : memref<128x16xf32, #tpu.memory_space<hbm>>) target(%arg7 : memref<128x16xf32, #tpu.memory_space<vmem>>) target_semaphore(%arg18 : memref<!tpu.dma_semaphore, #tpu.memory_space<semaphore_mem>>)
    %dma_start3A_167 = tpu.memref_slice %arg2[%add3A_154] : memref<16384xi32, #tpu.memory_space<hbm>> -> memref<128xi32, #tpu.memory_space<hbm>>
    %dma_start3A_168 = tpu.memref_slice %arg2[%add3A_154] : memref<16384xi32, #tpu.memory_space<hbm>> -> memref<128xi32, #tpu.memory_space<hbm>>
    tpu.enqueue_dma source(%dma_start3A_168 : memref<128xi32, #tpu.memory_space<hbm>>) target(%arg13 : memref<128xi32, #tpu.memory_space<vmem>>) target_semaphore(%arg18 : memref<!tpu.dma_semaphore, #tpu.memory_space<semaphore_mem>>)
    %scan3A_169 = arith.constant 0 : i32
    %scan3A_170 = arith.constant 0 : i32
    %scan3A_171 = arith.constant 128 : i32
    %scan3A_172 = arith.addi %scan3A_170, %scan3A_171 : i32
    %scan3A_173 = arith.constant 1 : i32
    %scan3A_174 = scf.for %scan3A_222 = %scan3A_170 to %scan3A_172 step %scan3A_173 iter_args(%scan3A_223 = %scan3A_169) -> (i32)  : i32 {
      %get3A = arith.index_cast %scan3A_222 : i32 to index
      %get3A_224 = arith.constant 0 : index
      %get3A_225 = tpu.vector_load %arg6[%get3A, %get3A_224] {strides = array<i32>} : memref<128x16xf32, #tpu.memory_space<vmem>>, vector<1x16xf32>,
      %get3A_226 = vector.shape_cast %get3A_225 : vector<1x16xf32> to vector<16xf32>
      %get3A_227 = arith.index_cast %scan3A_222 : i32 to index
      %get3A_228 = arith.constant 0 : index
      %get3A_229 = tpu.vector_load %arg8[%get3A_227, %get3A_228] {strides = array<i32>} : memref<128x128xf32, #tpu.memory_space<vmem>>, vector<1x16xf32>,
      %get3A_230 = vector.shape_cast %get3A_229 : vector<1x16xf32> to vector<16xf32>
      %mul3A_231 = arith.mulf %get3A_230, %get3A_226 : vector<16xf32>
      %swap3A = arith.index_cast %scan3A_222 : i32 to index
      %swap3A_232 = arith.constant 0 : index
      %swap3A_233 = tpu.vector_load %arg8[%swap3A, %swap3A_232] {strides = array<i32>} : memref<128x128xf32, #tpu.memory_space<vmem>>, vector<1x16xf32>,
      %swap3A_234 = vector.shape_cast %swap3A_233 : vector<1x16xf32> to vector<16xf32>
      %swap3A_235 = vector.shape_cast %mul3A_231 : vector<16xf32> to vector<1x16xf32>
      tpu.vector_store %arg8[%swap3A, %swap3A_232], %swap3A_235 {strides = array<i32>} : memref<128x128xf32, #tpu.memory_space<vmem>>, vector<1x16xf32>,
      %get3A_236 = arith.index_cast %scan3A_222 : i32 to index
      %get3A_237 = arith.constant 0 : index
      %get3A_238 = tpu.vector_load %arg10[%get3A_236, %get3A_237] {strides = array<i32>} : memref<128x128xf32, #tpu.memory_space<vmem>>, vector<1x16xf32>,
      %get3A_239 = vector.shape_cast %get3A_238 : vector<1x16xf32> to vector<16xf32>
      %mul3A_240 = arith.mulf %get3A_239, %get3A_226 : vector<16xf32>
      %swap3A_241 = arith.index_cast %scan3A_222 : i32 to index
      %swap3A_242 = arith.constant 0 : index
      %swap3A_243 = tpu.vector_load %arg10[%swap3A_241, %swap3A_242] {strides = array<i32>} : memref<128x128xf32, #tpu.memory_space<vmem>>, vector<1x16xf32>,
      %swap3A_244 = vector.shape_cast %swap3A_243 : vector<1x16xf32> to vector<16xf32>
      %swap3A_245 = vector.shape_cast %mul3A_240 : vector<16xf32> to vector<1x16xf32>
      tpu.vector_store %arg10[%swap3A_241, %swap3A_242], %swap3A_245 {strides = array<i32>} : memref<128x128xf32, #tpu.memory_space<vmem>>, vector<1x16xf32>,
      %get3A_246 = arith.index_cast %scan3A_222 : i32 to index
      %get3A_247 = arith.constant 16 : index
      %get3A_248 = tpu.vector_load %arg8[%get3A_246, %get3A_247] {strides = array<i32>} : memref<128x128xf32, #tpu.memory_space<vmem>>, vector<1x16xf32>,
      %get3A_249 = vector.shape_cast %get3A_248 : vector<1x16xf32> to vector<16xf32>
      %mul3A_250 = arith.mulf %get3A_249, %get3A_226 : vector<16xf32>
      %swap3A_251 = arith.index_cast %scan3A_222 : i32 to index
      %swap3A_252 = arith.constant 16 : index
      %swap3A_253 = tpu.vector_load %arg8[%swap3A_251, %swap3A_252] {strides = array<i32>} : memref<128x128xf32, #tpu.memory_space<vmem>>, vector<1x16xf32>,
      %swap3A_254 = vector.shape_cast %swap3A_253 : vector<1x16xf32> to vector<16xf32>
      %swap3A_255 = vector.shape_cast %mul3A_250 : vector<16xf32> to vector<1x16xf32>
      tpu.vector_store %arg8[%swap3A_251, %swap3A_252], %swap3A_255 {strides = array<i32>} : memref<128x128xf32, #tpu.memory_space<vmem>>, vector<1x16xf32>,
      %get3A_256 = arith.index_cast %scan3A_222 : i32 to index
      %get3A_257 = arith.constant 16 : index
      %get3A_258 = tpu.vector_load %arg10[%get3A_256, %get3A_257] {strides = array<i32>} : memref<128x128xf32, #tpu.memory_space<vmem>>, vector<1x16xf32>,
      %get3A_259 = vector.shape_cast %get3A_258 : vector<1x16xf32> to vector<16xf32>
      %mul3A_260 = arith.mulf %get3A_259, %get3A_226 : vector<16xf32>
      %swap3A_261 = arith.index_cast %scan3A_222 : i32 to index
      %swap3A_262 = arith.constant 16 : index
      %swap3A_263 = tpu.vector_load %arg10[%swap3A_261, %swap3A_262] {strides = array<i32>} : memref<128x128xf32, #tpu.memory_space<vmem>>, vector<1x16xf32>,
      %swap3A_264 = vector.shape_cast %swap3A_263 : vector<1x16xf32> to vector<16xf32>
      %swap3A_265 = vector.shape_cast %mul3A_260 : vector<16xf32> to vector<1x16xf32>
      tpu.vector_store %arg10[%swap3A_261, %swap3A_262], %swap3A_265 {strides = array<i32>} : memref<128x128xf32, #tpu.memory_space<vmem>>, vector<1x16xf32>,
      %get3A_266 = arith.index_cast %scan3A_222 : i32 to index
      %get3A_267 = arith.constant 32 : index
      %get3A_268 = tpu.vector_load %arg8[%get3A_266, %get3A_267] {strides = array<i32>} : memref<128x128xf32, #tpu.memory_space<vmem>>, vector<1x16xf32>,
      %get3A_269 = vector.shape_cast %get3A_268 : vector<1x16xf32> to vector<16xf32>
      %mul3A_270 = arith.mulf %get3A_269, %get3A_226 : vector<16xf32>
      %swap3A_271 = arith.index_cast %scan3A_222 : i32 to index
      %swap3A_272 = arith.constant 32 : index
      %swap3A_273 = tpu.vector_load %arg8[%swap3A_271, %swap3A_272] {strides = array<i32>} : memref<128x128xf32, #tpu.memory_space<vmem>>, vector<1x16xf32>,
      %swap3A_274 = vector.shape_cast %swap3A_273 : vector<1x16xf32> to vector<16xf32>
      %swap3A_275 = vector.shape_cast %mul3A_270 : vector<16xf32> to vector<1x16xf32>
      tpu.vector_store %arg8[%swap3A_271, %swap3A_272], %swap3A_275 {strides = array<i32>} : memref<128x128xf32, #tpu.memory_space<vmem>>, vector<1x16xf32>,
      %get3A_276 = arith.index_cast %scan3A_222 : i32 to index
      %get3A_277 = arith.constant 32 : index
      %get3A_278 = tpu.vector_load %arg10[%get3A_276, %get3A_277] {strides = array<i32>} : memref<128x128xf32, #tpu.memory_space<vmem>>, vector<1x16xf32>,
      %get3A_279 = vector.shape_cast %get3A_278 : vector<1x16xf32> to vector<16xf32>
      %mul3A_280 = arith.mulf %get3A_279, %get3A_226 : vector<16xf32>
      %swap3A_281 = arith.index_cast %scan3A_222 : i32 to index
      %swap3A_282 = arith.constant 32 : index
      %swap3A_283 = tpu.vector_load %arg10[%swap3A_281, %swap3A_282] {strides = array<i32>} : memref<128x128xf32, #tpu.memory_space<vmem>>, vector<1x16xf32>,
      %swap3A_284 = vector.shape_cast %swap3A_283 : vector<1x16xf32> to vector<16xf32>
      %swap3A_285 = vector.shape_cast %mul3A_280 : vector<16xf32> to vector<1x16xf32>
      tpu.vector_store %arg10[%swap3A_281, %swap3A_282], %swap3A_285 {strides = array<i32>} : memref<128x128xf32, #tpu.memory_space<vmem>>, vector<1x16xf32>,
      %get3A_286 = arith.index_cast %scan3A_222 : i32 to index
      %get3A_287 = arith.constant 48 : index
      %get3A_288 = tpu.vector_load %arg8[%get3A_286, %get3A_287] {strides = array<i32>} : memref<128x128xf32, #tpu.memory_space<vmem>>, vector<1x16xf32>,
      %get3A_289 = vector.shape_cast %get3A_288 : vector<1x16xf32> to vector<16xf32>
      %mul3A_290 = arith.mulf %get3A_289, %get3A_226 : vector<16xf32>
      %swap3A_291 = arith.index_cast %scan3A_222 : i32 to index
      %swap3A_292 = arith.constant 48 : index
      %swap3A_293 = tpu.vector_load %arg8[%swap3A_291, %swap3A_292] {strides = array<i32>} : memref<128x128xf32, #tpu.memory_space<vmem>>, vector<1x16xf32>,
      %swap3A_294 = vector.shape_cast %swap3A_293 : vector<1x16xf32> to vector<16xf32>
      %swap3A_295 = vector.shape_cast %mul3A_290 : vector<16xf32> to vector<1x16xf32>
      tpu.vector_store %arg8[%swap3A_291, %swap3A_292], %swap3A_295 {strides = array<i32>} : memref<128x128xf32, #tpu.memory_space<vmem>>, vector<1x16xf32>,
      %get3A_296 = arith.index_cast %scan3A_222 : i32 to index
      %get3A_297 = arith.constant 48 : index
      %get3A_298 = tpu.vector_load %arg10[%get3A_296, %get3A_297] {strides = array<i32>} : memref<128x128xf32, #tpu.memory_space<vmem>>, vector<1x16xf32>,
      %get3A_299 = vector.shape_cast %get3A_298 : vector<1x16xf32> to vector<16xf32>
      %mul3A_300 = arith.mulf %get3A_299, %get3A_226 : vector<16xf32>
      %swap3A_301 = arith.index_cast %scan3A_222 : i32 to index
      %swap3A_302 = arith.constant 48 : index
      %swap3A_303 = tpu.vector_load %arg10[%swap3A_301, %swap3A_302] {strides = array<i32>} : memref<128x128xf32, #tpu.memory_space<vmem>>, vector<1x16xf32>,
      %swap3A_304 = vector.shape_cast %swap3A_303 : vector<1x16xf32> to vector<16xf32>
      %swap3A_305 = vector.shape_cast %mul3A_300 : vector<16xf32> to vector<1x16xf32>
      tpu.vector_store %arg10[%swap3A_301, %swap3A_302], %swap3A_305 {strides = array<i32>} : memref<128x128xf32, #tpu.memory_space<vmem>>, vector<1x16xf32>,
      %get3A_306 = arith.index_cast %scan3A_222 : i32 to index
      %get3A_307 = arith.constant 64 : index
      %get3A_308 = tpu.vector_load %arg8[%get3A_306, %get3A_307] {strides = array<i32>} : memref<128x128xf32, #tpu.memory_space<vmem>>, vector<1x16xf32>,
      %get3A_309 = vector.shape_cast %get3A_308 : vector<1x16xf32> to vector<16xf32>
      %mul3A_310 = arith.mulf %get3A_309, %get3A_226 : vector<16xf32>
      %swap3A_311 = arith.index_cast %scan3A_222 : i32 to index
      %swap3A_312 = arith.constant 64 : index
      %swap3A_313 = tpu.vector_load %arg8[%swap3A_311, %swap3A_312] {strides = array<i32>} : memref<128x128xf32, #tpu.memory_space<vmem>>, vector<1x16xf32>,
      %swap3A_314 = vector.shape_cast %swap3A_313 : vector<1x16xf32> to vector<16xf32>
      %swap3A_315 = vector.shape_cast %mul3A_310 : vector<16xf32> to vector<1x16xf32>
      tpu.vector_store %arg8[%swap3A_311, %swap3A_312], %swap3A_315 {strides = array<i32>} : memref<128x128xf32, #tpu.memory_space<vmem>>, vector<1x16xf32>,
      %get3A_316 = arith.index_cast %scan3A_222 : i32 to index
      %get3A_317 = arith.constant 64 : index
      %get3A_318 = tpu.vector_load %arg10[%get3A_316, %get3A_317] {strides = array<i32>} : memref<128x128xf32, #tpu.memory_space<vmem>>, vector<1x16xf32>,
      %get3A_319 = vector.shape_cast %get3A_318 : vector<1x16xf32> to vector<16xf32>
      %mul3A_320 = arith.mulf %get3A_319, %get3A_226 : vector<16xf32>
      %swap3A_321 = arith.index_cast %scan3A_222 : i32 to index
      %swap3A_322 = arith.constant 64 : index
      %swap3A_323 = tpu.vector_load %arg10[%swap3A_321, %swap3A_322] {strides = array<i32>} : memref<128x128xf32, #tpu.memory_space<vmem>>, vector<1x16xf32>,
      %swap3A_324 = vector.shape_cast %swap3A_323 : vector<1x16xf32> to vector<16xf32>
      %swap3A_325 = vector.shape_cast %mul3A_320 : vector<16xf32> to vector<1x16xf32>
      tpu.vector_store %arg10[%swap3A_321, %swap3A_322], %swap3A_325 {strides = array<i32>} : memref<128x128xf32, #tpu.memory_space<vmem>>, vector<1x16xf32>,
      %get3A_326 = arith.index_cast %scan3A_222 : i32 to index
      %get3A_327 = arith.constant 80 : index
      %get3A_328 = tpu.vector_load %arg8[%get3A_326, %get3A_327] {strides = array<i32>} : memref<128x128xf32, #tpu.memory_space<vmem>>, vector<1x16xf32>,
      %get3A_329 = vector.shape_cast %get3A_328 : vector<1x16xf32> to vector<16xf32>
      %mul3A_330 = arith.mulf %get3A_329, %get3A_226 : vector<16xf32>
      %swap3A_331 = arith.index_cast %scan3A_222 : i32 to index
      %swap3A_332 = arith.constant 80 : index
      %swap3A_333 = tpu.vector_load %arg8[%swap3A_331, %swap3A_332] {strides = array<i32>} : memref<128x128xf32, #tpu.memory_space<vmem>>, vector<1x16xf32>,
      %swap3A_334 = vector.shape_cast %swap3A_333 : vector<1x16xf32> to vector<16xf32>
      %swap3A_335 = vector.shape_cast %mul3A_330 : vector<16xf32> to vector<1x16xf32>
      tpu.vector_store %arg8[%swap3A_331, %swap3A_332], %swap3A_335 {strides = array<i32>} : memref<128x128xf32, #tpu.memory_space<vmem>>, vector<1x16xf32>,
      %get3A_336 = arith.index_cast %scan3A_222 : i32 to index
      %get3A_337 = arith.constant 80 : index
      %get3A_338 = tpu.vector_load %arg10[%get3A_336, %get3A_337] {strides = array<i32>} : memref<128x128xf32, #tpu.memory_space<vmem>>, vector<1x16xf32>,
      %get3A_339 = vector.shape_cast %get3A_338 : vector<1x16xf32> to vector<16xf32>
      %mul3A_340 = arith.mulf %get3A_339, %get3A_226 : vector<16xf32>
      %swap3A_341 = arith.index_cast %scan3A_222 : i32 to index
      %swap3A_342 = arith.constant 80 : index
      %swap3A_343 = tpu.vector_load %arg10[%swap3A_341, %swap3A_342] {strides = array<i32>} : memref<128x128xf32, #tpu.memory_space<vmem>>, vector<1x16xf32>,
      %swap3A_344 = vector.shape_cast %swap3A_343 : vector<1x16xf32> to vector<16xf32>
      %swap3A_345 = vector.shape_cast %mul3A_340 : vector<16xf32> to vector<1x16xf32>
      tpu.vector_store %arg10[%swap3A_341, %swap3A_342], %swap3A_345 {strides = array<i32>} : memref<128x128xf32, #tpu.memory_space<vmem>>, vector<1x16xf32>,
      %get3A_346 = arith.index_cast %scan3A_222 : i32 to index
      %get3A_347 = arith.constant 96 : index
      %get3A_348 = tpu.vector_load %arg8[%get3A_346, %get3A_347] {strides = array<i32>} : memref<128x128xf32, #tpu.memory_space<vmem>>, vector<1x16xf32>,
      %get3A_349 = vector.shape_cast %get3A_348 : vector<1x16xf32> to vector<16xf32>
      %mul3A_350 = arith.mulf %get3A_349, %get3A_226 : vector<16xf32>
      %swap3A_351 = arith.index_cast %scan3A_222 : i32 to index
      %swap3A_352 = arith.constant 96 : index
      %swap3A_353 = tpu.vector_load %arg8[%swap3A_351, %swap3A_352] {strides = array<i32>} : memref<128x128xf32, #tpu.memory_space<vmem>>, vector<1x16xf32>,
      %swap3A_354 = vector.shape_cast %swap3A_353 : vector<1x16xf32> to vector<16xf32>
      %swap3A_355 = vector.shape_cast %mul3A_350 : vector<16xf32> to vector<1x16xf32>
      tpu.vector_store %arg8[%swap3A_351, %swap3A_352], %swap3A_355 {strides = array<i32>} : memref<128x128xf32, #tpu.memory_space<vmem>>, vector<1x16xf32>,
      %get3A_356 = arith.index_cast %scan3A_222 : i32 to index
      %get3A_357 = arith.constant 96 : index
      %get3A_358 = tpu.vector_load %arg10[%get3A_356, %get3A_357] {strides = array<i32>} : memref<128x128xf32, #tpu.memory_space<vmem>>, vector<1x16xf32>,
      %get3A_359 = vector.shape_cast %get3A_358 : vector<1x16xf32> to vector<16xf32>
      %mul3A_360 = arith.mulf %get3A_359, %get3A_226 : vector<16xf32>
      %swap3A_361 = arith.index_cast %scan3A_222 : i32 to index
      %swap3A_362 = arith.constant 96 : index
      %swap3A_363 = tpu.vector_load %arg10[%swap3A_361, %swap3A_362] {strides = array<i32>} : memref<128x128xf32, #tpu.memory_space<vmem>>, vector<1x16xf32>,
      %swap3A_364 = vector.shape_cast %swap3A_363 : vector<1x16xf32> to vector<16xf32>
      %swap3A_365 = vector.shape_cast %mul3A_360 : vector<16xf32> to vector<1x16xf32>
      tpu.vector_store %arg10[%swap3A_361, %swap3A_362], %swap3A_365 {strides = array<i32>} : memref<128x128xf32, #tpu.memory_space<vmem>>, vector<1x16xf32>,
      %get3A_366 = arith.index_cast %scan3A_222 : i32 to index
      %get3A_367 = arith.constant 112 : index
      %get3A_368 = tpu.vector_load %arg8[%get3A_366, %get3A_367] {strides = array<i32>} : memref<128x128xf32, #tpu.memory_space<vmem>>, vector<1x16xf32>,
      %get3A_369 = vector.shape_cast %get3A_368 : vector<1x16xf32> to vector<16xf32>
      %mul3A_370 = arith.mulf %get3A_369, %get3A_226 : vector<16xf32>
      %swap3A_371 = arith.index_cast %scan3A_222 : i32 to index
      %swap3A_372 = arith.constant 112 : index
      %swap3A_373 = tpu.vector_load %arg8[%swap3A_371, %swap3A_372] {strides = array<i32>} : memref<128x128xf32, #tpu.memory_space<vmem>>, vector<1x16xf32>,
      %swap3A_374 = vector.shape_cast %swap3A_373 : vector<1x16xf32> to vector<16xf32>
      %swap3A_375 = vector.shape_cast %mul3A_370 : vector<16xf32> to vector<1x16xf32>
      tpu.vector_store %arg8[%swap3A_371, %swap3A_372], %swap3A_375 {strides = array<i32>} : memref<128x128xf32, #tpu.memory_space<vmem>>, vector<1x16xf32>,
      %get3A_376 = arith.index_cast %scan3A_222 : i32 to index
      %get3A_377 = arith.constant 112 : index
      %get3A_378 = tpu.vector_load %arg10[%get3A_376, %get3A_377] {strides = array<i32>} : memref<128x128xf32, #tpu.memory_space<vmem>>, vector<1x16xf32>,
      %get3A_379 = vector.shape_cast %get3A_378 : vector<1x16xf32> to vector<16xf32>
      %mul3A_380 = arith.mulf %get3A_379, %get3A_226 : vector<16xf32>
      %swap3A_381 = arith.index_cast %scan3A_222 : i32 to index
      %swap3A_382 = arith.constant 112 : index
      %swap3A_383 = tpu.vector_load %arg10[%swap3A_381, %swap3A_382] {strides = array<i32>} : memref<128x128xf32, #tpu.memory_space<vmem>>, vector<1x16xf32>,
      %swap3A_384 = vector.shape_cast %swap3A_383 : vector<1x16xf32> to vector<16xf32>
      %swap3A_385 = vector.shape_cast %mul3A_380 : vector<16xf32> to vector<1x16xf32>
      tpu.vector_store %arg10[%swap3A_381, %swap3A_382], %swap3A_385 {strides = array<i32>} : memref<128x128xf32, #tpu.memory_space<vmem>>, vector<1x16xf32>,
      %scan3A_386 = arith.constant 0 : i32
      scf.yield %scan3A_386 : i32
    }
    %scan3A_175 = arith.constant 128 : i32
    %dma_start3A_176 = arith.constant 0 : i32
    %dma_start3A_177 = arith.constant 0 : i32
    %dma_start3A_178 = tpu.memref_slice %arg15[%dma_start3A_176, %dma_start3A_177] : memref<1024x128xf32, #tpu.memory_space<vmem_shared>> -> memref<1024x128xf32, #tpu.memory_space<vmem_shared>>
    tpu.enqueue_indirect_dma source(%arg8 : memref<128x128xf32, #tpu.memory_space<vmem>>) target(%dma_start3A_178 : memref<1024x128xf32, #tpu.memory_space<vmem_shared>>) offsets(%arg12 : memref<128xi32, #tpu.memory_space<vmem>>) semaphore(%arg19 : memref<!tpu.dma_semaphore, #tpu.memory_space<semaphore_mem>>) {add = true}
    %dma_start3A_179 = arith.constant 0 : i32
    %dma_start3A_180 = arith.constant 0 : i32
    %dma_start3A_181 = tpu.memref_slice %arg16[%dma_start3A_179, %dma_start3A_180] : memref<1024x128xf32, #tpu.memory_space<vmem_shared>> -> memref<1024x128xf32, #tpu.memory_space<vmem_shared>>
    tpu.enqueue_indirect_dma source(%arg10 : memref<128x128xf32, #tpu.memory_space<vmem>>) target(%dma_start3A_181 : memref<1024x128xf32, #tpu.memory_space<vmem_shared>>) offsets(%arg12 : memref<128xi32, #tpu.memory_space<vmem>>) semaphore(%arg19 : memref<!tpu.dma_semaphore, #tpu.memory_space<semaphore_mem>>) {add = true}
    %dma_wait3A_182 = arith.constant 0 : i32
    %dma_wait3A_183 = tpu.memref_slice %arg4[%add3A_154, %dma_wait3A_182] : memref<16384x256xf32, #tpu.memory_space<hbm>> -> memref<128x128xf32, #tpu.memory_space<hbm>>
    %dma_wait3A_184 = arith.constant 0 : i32
    %dma_wait3A_185 = tpu.memref_slice %arg4[%add3A_154, %dma_wait3A_184] : memref<16384x256xf32, #tpu.memory_space<hbm>> -> memref<128x128xf32, #tpu.memory_space<hbm>>
    tpu.wait_dma2 semaphore(%arg18 : memref<!tpu.dma_semaphore, #tpu.memory_space<semaphore_mem>>) src(%dma_wait3A_185 : memref<128x128xf32, #tpu.memory_space<hbm>>) dst(%arg9 : memref<128x128xf32, #tpu.memory_space<vmem>>)
    %dma_wait3A_186 = arith.constant 128 : i32
    %dma_wait3A_187 = tpu.memref_slice %arg4[%add3A_154, %dma_wait3A_186] : memref<16384x256xf32, #tpu.memory_space<hbm>> -> memref<128x128xf32, #tpu.memory_space<hbm>>
    %dma_wait3A_188 = arith.constant 128 : i32
    %dma_wait3A_189 = tpu.memref_slice %arg4[%add3A_154, %dma_wait3A_188] : memref<16384x256xf32, #tpu.memory_space<hbm>> -> memref<128x128xf32, #tpu.memory_space<hbm>>
    tpu.wait_dma2 semaphore(%arg18 : memref<!tpu.dma_semaphore, #tpu.memory_space<semaphore_mem>>) src(%dma_wait3A_189 : memref<128x128xf32, #tpu.memory_space<hbm>>) dst(%arg11 : memref<128x128xf32, #tpu.memory_space<vmem>>)
    %dma_wait3A_190 = arith.constant 0 : i32
    %dma_wait3A_191 = tpu.memref_slice %arg3[%add3A_154, %dma_wait3A_190] : memref<16384x16xf32, #tpu.memory_space<hbm>> -> memref<128x16xf32, #tpu.memory_space<hbm>>
    %dma_wait3A_192 = arith.constant 0 : i32
    %dma_wait3A_193 = tpu.memref_slice %arg3[%add3A_154, %dma_wait3A_192] : memref<16384x16xf32, #tpu.memory_space<hbm>> -> memref<128x16xf32, #tpu.memory_space<hbm>>
    tpu.wait_dma2 semaphore(%arg18 : memref<!tpu.dma_semaphore, #tpu.memory_space<semaphore_mem>>) src(%dma_wait3A_193 : memref<128x16xf32, #tpu.memory_space<hbm>>) dst(%arg7 : memref<128x16xf32, #tpu.memory_space<vmem>>)
    %dma_wait3A_194 = tpu.memref_slice %arg2[%add3A_154] : memref<16384xi32, #tpu.memory_space<hbm>> -> memref<128xi32, #tpu.memory_space<hbm>>
    %dma_wait3A_195 = tpu.memref_slice %arg2[%add3A_154] : memref<16384xi32, #tpu.memory_space<hbm>> -> memref<128xi32, #tpu.memory_space<hbm>>
    tpu.wait_dma2 semaphore(%arg18 : memref<!tpu.dma_semaphore, #tpu.memory_space<semaphore_mem>>) src(%dma_wait3A_195 : memref<128xi32, #tpu.memory_space<hbm>>) dst(%arg13 : memref<128xi32, #tpu.memory_space<vmem>>)
    %scan3A_196 = arith.constant 0 : i32
    %scan3A_197 = arith.constant 0 : i32
    %scan3A_198 = arith.constant 128 : i32
    %scan3A_199 = arith.addi %scan3A_197, %scan3A_198 : i32
    %scan3A_200 = arith.constant 1 : i32
    %scan3A_201 = scf.for %scan3A_222 = %scan3A_197 to %scan3A_199 step %scan3A_200 iter_args(%scan3A_223 = %scan3A_196) -> (i32)  : i32 {
      %get3A = arith.index_cast %scan3A_222 : i32 to index
      %get3A_224 = arith.constant 0 : index
      %get3A_225 = tpu.vector_load %arg7[%get3A, %get3A_224] {strides = array<i32>} : memref<128x16xf32, #tpu.memory_space<vmem>>, vector<1x16xf32>,
      %get3A_226 = vector.shape_cast %get3A_225 : vector<1x16xf32> to vector<16xf32>
      %get3A_227 = arith.index_cast %scan3A_222 : i32 to index
      %get3A_228 = arith.constant 0 : index
      %get3A_229 = tpu.vector_load %arg9[%get3A_227, %get3A_228] {strides = array<i32>} : memref<128x128xf32, #tpu.memory_space<vmem>>, vector<1x16xf32>,
      %get3A_230 = vector.shape_cast %get3A_229 : vector<1x16xf32> to vector<16xf32>
      %mul3A_231 = arith.mulf %get3A_230, %get3A_226 : vector<16xf32>
      %swap3A = arith.index_cast %scan3A_222 : i32 to index
      %swap3A_232 = arith.constant 0 : index
      %swap3A_233 = tpu.vector_load %arg9[%swap3A, %swap3A_232] {strides = array<i32>} : memref<128x128xf32, #tpu.memory_space<vmem>>, vector<1x16xf32>,
      %swap3A_234 = vector.shape_cast %swap3A_233 : vector<1x16xf32> to vector<16xf32>
      %swap3A_235 = vector.shape_cast %mul3A_231 : vector<16xf32> to vector<1x16xf32>
      tpu.vector_store %arg9[%swap3A, %swap3A_232], %swap3A_235 {strides = array<i32>} : memref<128x128xf32, #tpu.memory_space<vmem>>, vector<1x16xf32>,
      %get3A_236 = arith.index_cast %scan3A_222 : i32 to index
      %get3A_237 = arith.constant 0 : index
      %get3A_238 = tpu.vector_load %arg11[%get3A_236, %get3A_237] {strides = array<i32>} : memref<128x128xf32, #tpu.memory_space<vmem>>, vector<1x16xf32>,
      %get3A_239 = vector.shape_cast %get3A_238 : vector<1x16xf32> to vector<16xf32>
      %mul3A_240 = arith.mulf %get3A_239, %get3A_226 : vector<16xf32>
      %swap3A_241 = arith.index_cast %scan3A_222 : i32 to index
      %swap3A_242 = arith.constant 0 : index
      %swap3A_243 = tpu.vector_load %arg11[%swap3A_241, %swap3A_242] {strides = array<i32>} : memref<128x128xf32, #tpu.memory_space<vmem>>, vector<1x16xf32>,
      %swap3A_244 = vector.shape_cast %swap3A_243 : vector<1x16xf32> to vector<16xf32>
      %swap3A_245 = vector.shape_cast %mul3A_240 : vector<16xf32> to vector<1x16xf32>
      tpu.vector_store %arg11[%swap3A_241, %swap3A_242], %swap3A_245 {strides = array<i32>} : memref<128x128xf32, #tpu.memory_space<vmem>>, vector<1x16xf32>,
      %get3A_246 = arith.index_cast %scan3A_222 : i32 to index
      %get3A_247 = arith.constant 16 : index
      %get3A_248 = tpu.vector_load %arg9[%get3A_246, %get3A_247] {strides = array<i32>} : memref<128x128xf32, #tpu.memory_space<vmem>>, vector<1x16xf32>,
      %get3A_249 = vector.shape_cast %get3A_248 : vector<1x16xf32> to vector<16xf32>
      %mul3A_250 = arith.mulf %get3A_249, %get3A_226 : vector<16xf32>
      %swap3A_251 = arith.index_cast %scan3A_222 : i32 to index
      %swap3A_252 = arith.constant 16 : index
      %swap3A_253 = tpu.vector_load %arg9[%swap3A_251, %swap3A_252] {strides = array<i32>} : memref<128x128xf32, #tpu.memory_space<vmem>>, vector<1x16xf32>,
      %swap3A_254 = vector.shape_cast %swap3A_253 : vector<1x16xf32> to vector<16xf32>
      %swap3A_255 = vector.shape_cast %mul3A_250 : vector<16xf32> to vector<1x16xf32>
      tpu.vector_store %arg9[%swap3A_251, %swap3A_252], %swap3A_255 {strides = array<i32>} : memref<128x128xf32, #tpu.memory_space<vmem>>, vector<1x16xf32>,
      %get3A_256 = arith.index_cast %scan3A_222 : i32 to index
      %get3A_257 = arith.constant 16 : index
      %get3A_258 = tpu.vector_load %arg11[%get3A_256, %get3A_257] {strides = array<i32>} : memref<128x128xf32, #tpu.memory_space<vmem>>, vector<1x16xf32>,
      %get3A_259 = vector.shape_cast %get3A_258 : vector<1x16xf32> to vector<16xf32>
      %mul3A_260 = arith.mulf %get3A_259, %get3A_226 : vector<16xf32>
      %swap3A_261 = arith.index_cast %scan3A_222 : i32 to index
      %swap3A_262 = arith.constant 16 : index
      %swap3A_263 = tpu.vector_load %arg11[%swap3A_261, %swap3A_262] {strides = array<i32>} : memref<128x128xf32, #tpu.memory_space<vmem>>, vector<1x16xf32>,
      %swap3A_264 = vector.shape_cast %swap3A_263 : vector<1x16xf32> to vector<16xf32>
      %swap3A_265 = vector.shape_cast %mul3A_260 : vector<16xf32> to vector<1x16xf32>
      tpu.vector_store %arg11[%swap3A_261, %swap3A_262], %swap3A_265 {strides = array<i32>} : memref<128x128xf32, #tpu.memory_space<vmem>>, vector<1x16xf32>,
      %get3A_266 = arith.index_cast %scan3A_222 : i32 to index
      %get3A_267 = arith.constant 32 : index
      %get3A_268 = tpu.vector_load %arg9[%get3A_266, %get3A_267] {strides = array<i32>} : memref<128x128xf32, #tpu.memory_space<vmem>>, vector<1x16xf32>,
      %get3A_269 = vector.shape_cast %get3A_268 : vector<1x16xf32> to vector<16xf32>
      %mul3A_270 = arith.mulf %get3A_269, %get3A_226 : vector<16xf32>
      %swap3A_271 = arith.index_cast %scan3A_222 : i32 to index
      %swap3A_272 = arith.constant 32 : index
      %swap3A_273 = tpu.vector_load %arg9[%swap3A_271, %swap3A_272] {strides = array<i32>} : memref<128x128xf32, #tpu.memory_space<vmem>>, vector<1x16xf32>,
      %swap3A_274 = vector.shape_cast %swap3A_273 : vector<1x16xf32> to vector<16xf32>
      %swap3A_275 = vector.shape_cast %mul3A_270 : vector<16xf32> to vector<1x16xf32>
      tpu.vector_store %arg9[%swap3A_271, %swap3A_272], %swap3A_275 {strides = array<i32>} : memref<128x128xf32, #tpu.memory_space<vmem>>, vector<1x16xf32>,
      %get3A_276 = arith.index_cast %scan3A_222 : i32 to index
      %get3A_277 = arith.constant 32 : index
      %get3A_278 = tpu.vector_load %arg11[%get3A_276, %get3A_277] {strides = array<i32>} : memref<128x128xf32, #tpu.memory_space<vmem>>, vector<1x16xf32>,
      %get3A_279 = vector.shape_cast %get3A_278 : vector<1x16xf32> to vector<16xf32>
      %mul3A_280 = arith.mulf %get3A_279, %get3A_226 : vector<16xf32>
      %swap3A_281 = arith.index_cast %scan3A_222 : i32 to index
      %swap3A_282 = arith.constant 32 : index
      %swap3A_283 = tpu.vector_load %arg11[%swap3A_281, %swap3A_282] {strides = array<i32>} : memref<128x128xf32, #tpu.memory_space<vmem>>, vector<1x16xf32>,
      %swap3A_284 = vector.shape_cast %swap3A_283 : vector<1x16xf32> to vector<16xf32>
      %swap3A_285 = vector.shape_cast %mul3A_280 : vector<16xf32> to vector<1x16xf32>
      tpu.vector_store %arg11[%swap3A_281, %swap3A_282], %swap3A_285 {strides = array<i32>} : memref<128x128xf32, #tpu.memory_space<vmem>>, vector<1x16xf32>,
      %get3A_286 = arith.index_cast %scan3A_222 : i32 to index
      %get3A_287 = arith.constant 48 : index
      %get3A_288 = tpu.vector_load %arg9[%get3A_286, %get3A_287] {strides = array<i32>} : memref<128x128xf32, #tpu.memory_space<vmem>>, vector<1x16xf32>,
      %get3A_289 = vector.shape_cast %get3A_288 : vector<1x16xf32> to vector<16xf32>
      %mul3A_290 = arith.mulf %get3A_289, %get3A_226 : vector<16xf32>
      %swap3A_291 = arith.index_cast %scan3A_222 : i32 to index
      %swap3A_292 = arith.constant 48 : index
      %swap3A_293 = tpu.vector_load %arg9[%swap3A_291, %swap3A_292] {strides = array<i32>} : memref<128x128xf32, #tpu.memory_space<vmem>>, vector<1x16xf32>,
      %swap3A_294 = vector.shape_cast %swap3A_293 : vector<1x16xf32> to vector<16xf32>
      %swap3A_295 = vector.shape_cast %mul3A_290 : vector<16xf32> to vector<1x16xf32>
      tpu.vector_store %arg9[%swap3A_291, %swap3A_292], %swap3A_295 {strides = array<i32>} : memref<128x128xf32, #tpu.memory_space<vmem>>, vector<1x16xf32>,
      %get3A_296 = arith.index_cast %scan3A_222 : i32 to index
      %get3A_297 = arith.constant 48 : index
      %get3A_298 = tpu.vector_load %arg11[%get3A_296, %get3A_297] {strides = array<i32>} : memref<128x128xf32, #tpu.memory_space<vmem>>, vector<1x16xf32>,
      %get3A_299 = vector.shape_cast %get3A_298 : vector<1x16xf32> to vector<16xf32>
      %mul3A_300 = arith.mulf %get3A_299, %get3A_226 : vector<16xf32>
      %swap3A_301 = arith.index_cast %scan3A_222 : i32 to index
      %swap3A_302 = arith.constant 48 : index
      %swap3A_303 = tpu.vector_load %arg11[%swap3A_301, %swap3A_302] {strides = array<i32>} : memref<128x128xf32, #tpu.memory_space<vmem>>, vector<1x16xf32>,
      %swap3A_304 = vector.shape_cast %swap3A_303 : vector<1x16xf32> to vector<16xf32>
      %swap3A_305 = vector.shape_cast %mul3A_300 : vector<16xf32> to vector<1x16xf32>
      tpu.vector_store %arg11[%swap3A_301, %swap3A_302], %swap3A_305 {strides = array<i32>} : memref<128x128xf32, #tpu.memory_space<vmem>>, vector<1x16xf32>,
      %get3A_306 = arith.index_cast %scan3A_222 : i32 to index
      %get3A_307 = arith.constant 64 : index
      %get3A_308 = tpu.vector_load %arg9[%get3A_306, %get3A_307] {strides = array<i32>} : memref<128x128xf32, #tpu.memory_space<vmem>>, vector<1x16xf32>,
      %get3A_309 = vector.shape_cast %get3A_308 : vector<1x16xf32> to vector<16xf32>
      %mul3A_310 = arith.mulf %get3A_309, %get3A_226 : vector<16xf32>
      %swap3A_311 = arith.index_cast %scan3A_222 : i32 to index
      %swap3A_312 = arith.constant 64 : index
      %swap3A_313 = tpu.vector_load %arg9[%swap3A_311, %swap3A_312] {strides = array<i32>} : memref<128x128xf32, #tpu.memory_space<vmem>>, vector<1x16xf32>,
      %swap3A_314 = vector.shape_cast %swap3A_313 : vector<1x16xf32> to vector<16xf32>
      %swap3A_315 = vector.shape_cast %mul3A_310 : vector<16xf32> to vector<1x16xf32>
      tpu.vector_store %arg9[%swap3A_311, %swap3A_312], %swap3A_315 {strides = array<i32>} : memref<128x128xf32, #tpu.memory_space<vmem>>, vector<1x16xf32>,
      %get3A_316 = arith.index_cast %scan3A_222 : i32 to index
      %get3A_317 = arith.constant 64 : index
      %get3A_318 = tpu.vector_load %arg11[%get3A_316, %get3A_317] {strides = array<i32>} : memref<128x128xf32, #tpu.memory_space<vmem>>, vector<1x16xf32>,
      %get3A_319 = vector.shape_cast %get3A_318 : vector<1x16xf32> to vector<16xf32>
      %mul3A_320 = arith.mulf %get3A_319, %get3A_226 : vector<16xf32>
      %swap3A_321 = arith.index_cast %scan3A_222 : i32 to index
      %swap3A_322 = arith.constant 64 : index
      %swap3A_323 = tpu.vector_load %arg11[%swap3A_321, %swap3A_322] {strides = array<i32>} : memref<128x128xf32, #tpu.memory_space<vmem>>, vector<1x16xf32>,
      %swap3A_324 = vector.shape_cast %swap3A_323 : vector<1x16xf32> to vector<16xf32>
      %swap3A_325 = vector.shape_cast %mul3A_320 : vector<16xf32> to vector<1x16xf32>
      tpu.vector_store %arg11[%swap3A_321, %swap3A_322], %swap3A_325 {strides = array<i32>} : memref<128x128xf32, #tpu.memory_space<vmem>>, vector<1x16xf32>,
      %get3A_326 = arith.index_cast %scan3A_222 : i32 to index
      %get3A_327 = arith.constant 80 : index
      %get3A_328 = tpu.vector_load %arg9[%get3A_326, %get3A_327] {strides = array<i32>} : memref<128x128xf32, #tpu.memory_space<vmem>>, vector<1x16xf32>,
      %get3A_329 = vector.shape_cast %get3A_328 : vector<1x16xf32> to vector<16xf32>
      %mul3A_330 = arith.mulf %get3A_329, %get3A_226 : vector<16xf32>
      %swap3A_331 = arith.index_cast %scan3A_222 : i32 to index
      %swap3A_332 = arith.constant 80 : index
      %swap3A_333 = tpu.vector_load %arg9[%swap3A_331, %swap3A_332] {strides = array<i32>} : memref<128x128xf32, #tpu.memory_space<vmem>>, vector<1x16xf32>,
      %swap3A_334 = vector.shape_cast %swap3A_333 : vector<1x16xf32> to vector<16xf32>
      %swap3A_335 = vector.shape_cast %mul3A_330 : vector<16xf32> to vector<1x16xf32>
      tpu.vector_store %arg9[%swap3A_331, %swap3A_332], %swap3A_335 {strides = array<i32>} : memref<128x128xf32, #tpu.memory_space<vmem>>, vector<1x16xf32>,
      %get3A_336 = arith.index_cast %scan3A_222 : i32 to index
      %get3A_337 = arith.constant 80 : index
      %get3A_338 = tpu.vector_load %arg11[%get3A_336, %get3A_337] {strides = array<i32>} : memref<128x128xf32, #tpu.memory_space<vmem>>, vector<1x16xf32>,
      %get3A_339 = vector.shape_cast %get3A_338 : vector<1x16xf32> to vector<16xf32>
      %mul3A_340 = arith.mulf %get3A_339, %get3A_226 : vector<16xf32>
      %swap3A_341 = arith.index_cast %scan3A_222 : i32 to index
      %swap3A_342 = arith.constant 80 : index
      %swap3A_343 = tpu.vector_load %arg11[%swap3A_341, %swap3A_342] {strides = array<i32>} : memref<128x128xf32, #tpu.memory_space<vmem>>, vector<1x16xf32>,
      %swap3A_344 = vector.shape_cast %swap3A_343 : vector<1x16xf32> to vector<16xf32>
      %swap3A_345 = vector.shape_cast %mul3A_340 : vector<16xf32> to vector<1x16xf32>
      tpu.vector_store %arg11[%swap3A_341, %swap3A_342], %swap3A_345 {strides = array<i32>} : memref<128x128xf32, #tpu.memory_space<vmem>>, vector<1x16xf32>,
      %get3A_346 = arith.index_cast %scan3A_222 : i32 to index
      %get3A_347 = arith.constant 96 : index
      %get3A_348 = tpu.vector_load %arg9[%get3A_346, %get3A_347] {strides = array<i32>} : memref<128x128xf32, #tpu.memory_space<vmem>>, vector<1x16xf32>,
      %get3A_349 = vector.shape_cast %get3A_348 : vector<1x16xf32> to vector<16xf32>
      %mul3A_350 = arith.mulf %get3A_349, %get3A_226 : vector<16xf32>
      %swap3A_351 = arith.index_cast %scan3A_222 : i32 to index
      %swap3A_352 = arith.constant 96 : index
      %swap3A_353 = tpu.vector_load %arg9[%swap3A_351, %swap3A_352] {strides = array<i32>} : memref<128x128xf32, #tpu.memory_space<vmem>>, vector<1x16xf32>,
      %swap3A_354 = vector.shape_cast %swap3A_353 : vector<1x16xf32> to vector<16xf32>
      %swap3A_355 = vector.shape_cast %mul3A_350 : vector<16xf32> to vector<1x16xf32>
      tpu.vector_store %arg9[%swap3A_351, %swap3A_352], %swap3A_355 {strides = array<i32>} : memref<128x128xf32, #tpu.memory_space<vmem>>, vector<1x16xf32>,
      %get3A_356 = arith.index_cast %scan3A_222 : i32 to index
      %get3A_357 = arith.constant 96 : index
      %get3A_358 = tpu.vector_load %arg11[%get3A_356, %get3A_357] {strides = array<i32>} : memref<128x128xf32, #tpu.memory_space<vmem>>, vector<1x16xf32>,
      %get3A_359 = vector.shape_cast %get3A_358 : vector<1x16xf32> to vector<16xf32>
      %mul3A_360 = arith.mulf %get3A_359, %get3A_226 : vector<16xf32>
      %swap3A_361 = arith.index_cast %scan3A_222 : i32 to index
      %swap3A_362 = arith.constant 96 : index
      %swap3A_363 = tpu.vector_load %arg11[%swap3A_361, %swap3A_362] {strides = array<i32>} : memref<128x128xf32, #tpu.memory_space<vmem>>, vector<1x16xf32>,
      %swap3A_364 = vector.shape_cast %swap3A_363 : vector<1x16xf32> to vector<16xf32>
      %swap3A_365 = vector.shape_cast %mul3A_360 : vector<16xf32> to vector<1x16xf32>
      tpu.vector_store %arg11[%swap3A_361, %swap3A_362], %swap3A_365 {strides = array<i32>} : memref<128x128xf32, #tpu.memory_space<vmem>>, vector<1x16xf32>,
      %get3A_366 = arith.index_cast %scan3A_222 : i32 to index
      %get3A_367 = arith.constant 112 : index
      %get3A_368 = tpu.vector_load %arg9[%get3A_366, %get3A_367] {strides = array<i32>} : memref<128x128xf32, #tpu.memory_space<vmem>>, vector<1x16xf32>,
      %get3A_369 = vector.shape_cast %get3A_368 : vector<1x16xf32> to vector<16xf32>
      %mul3A_370 = arith.mulf %get3A_369, %get3A_226 : vector<16xf32>
      %swap3A_371 = arith.index_cast %scan3A_222 : i32 to index
      %swap3A_372 = arith.constant 112 : index
      %swap3A_373 = tpu.vector_load %arg9[%swap3A_371, %swap3A_372] {strides = array<i32>} : memref<128x128xf32, #tpu.memory_space<vmem>>, vector<1x16xf32>,
      %swap3A_374 = vector.shape_cast %swap3A_373 : vector<1x16xf32> to vector<16xf32>
      %swap3A_375 = vector.shape_cast %mul3A_370 : vector<16xf32> to vector<1x16xf32>
      tpu.vector_store %arg9[%swap3A_371, %swap3A_372], %swap3A_375 {strides = array<i32>} : memref<128x128xf32, #tpu.memory_space<vmem>>, vector<1x16xf32>,
      %get3A_376 = arith.index_cast %scan3A_222 : i32 to index
      %get3A_377 = arith.constant 112 : index
      %get3A_378 = tpu.vector_load %arg11[%get3A_376, %get3A_377] {strides = array<i32>} : memref<128x128xf32, #tpu.memory_space<vmem>>, vector<1x16xf32>,
      %get3A_379 = vector.shape_cast %get3A_378 : vector<1x16xf32> to vector<16xf32>
      %mul3A_380 = arith.mulf %get3A_379, %get3A_226 : vector<16xf32>
      %swap3A_381 = arith.index_cast %scan3A_222 : i32 to index
      %swap3A_382 = arith.constant 112 : index
      %swap3A_383 = tpu.vector_load %arg11[%swap3A_381, %swap3A_382] {strides = array<i32>} : memref<128x128xf32, #tpu.memory_space<vmem>>, vector<1x16xf32>,
      %swap3A_384 = vector.shape_cast %swap3A_383 : vector<1x16xf32> to vector<16xf32>
      %swap3A_385 = vector.shape_cast %mul3A_380 : vector<16xf32> to vector<1x16xf32>
      tpu.vector_store %arg11[%swap3A_381, %swap3A_382], %swap3A_385 {strides = array<i32>} : memref<128x128xf32, #tpu.memory_space<vmem>>, vector<1x16xf32>,
      %scan3A_386 = arith.constant 0 : i32
      scf.yield %scan3A_386 : i32
    }
    %scan3A_202 = arith.constant 128 : i32
    %dma_start3A_203 = arith.constant 0 : i32
    %dma_start3A_204 = arith.constant 0 : i32
    %dma_start3A_205 = tpu.memref_slice %arg15[%dma_start3A_203, %dma_start3A_204] : memref<1024x128xf32, #tpu.memory_space<vmem_shared>> -> memref<1024x128xf32, #tpu.memory_space<vmem_shared>>
    tpu.enqueue_indirect_dma source(%arg9 : memref<128x128xf32, #tpu.memory_space<vmem>>) target(%dma_start3A_205 : memref<1024x128xf32, #tpu.memory_space<vmem_shared>>) offsets(%arg13 : memref<128xi32, #tpu.memory_space<vmem>>) semaphore(%arg20 : memref<!tpu.dma_semaphore, #tpu.memory_space<semaphore_mem>>) {add = true}
    %dma_start3A_206 = arith.constant 0 : i32
    %dma_start3A_207 = arith.constant 0 : i32
    %dma_start3A_208 = tpu.memref_slice %arg16[%dma_start3A_206, %dma_start3A_207] : memref<1024x128xf32, #tpu.memory_space<vmem_shared>> -> memref<1024x128xf32, #tpu.memory_space<vmem_shared>>
    tpu.enqueue_indirect_dma source(%arg11 : memref<128x128xf32, #tpu.memory_space<vmem>>) target(%dma_start3A_208 : memref<1024x128xf32, #tpu.memory_space<vmem_shared>>) offsets(%arg13 : memref<128xi32, #tpu.memory_space<vmem>>) semaphore(%arg20 : memref<!tpu.dma_semaphore, #tpu.memory_space<semaphore_mem>>) {add = true}
    %dma_wait3A_209 = arith.constant 0 : i32
    %dma_wait3A_210 = arith.constant 0 : i32
    %dma_wait3A_211 = tpu.memref_slice %arg15[%dma_wait3A_209, %dma_wait3A_210] : memref<1024x128xf32, #tpu.memory_space<vmem_shared>> -> memref<1024x128xf32, #tpu.memory_space<vmem_shared>>
    tpu.wait_indirect_dma semaphore(%arg19 : memref<!tpu.dma_semaphore, #tpu.memory_space<semaphore_mem>>) src(%arg8 : memref<128x128xf32, #tpu.memory_space<vmem>>) dst(%dma_wait3A_211 : memref<1024x128xf32, #tpu.memory_space<vmem_shared>>)
    %dma_wait3A_212 = arith.constant 0 : i32
    %dma_wait3A_213 = arith.constant 0 : i32
    %dma_wait3A_214 = tpu.memref_slice %arg16[%dma_wait3A_212, %dma_wait3A_213] : memref<1024x128xf32, #tpu.memory_space<vmem_shared>> -> memref<1024x128xf32, #tpu.memory_space<vmem_shared>>
    tpu.wait_indirect_dma semaphore(%arg19 : memref<!tpu.dma_semaphore, #tpu.memory_space<semaphore_mem>>) src(%arg10 : memref<128x128xf32, #tpu.memory_space<vmem>>) dst(%dma_wait3A_214 : memref<1024x128xf32, #tpu.memory_space<vmem_shared>>)
    %dma_wait3A_215 = arith.constant 0 : i32
    %dma_wait3A_216 = arith.constant 0 : i32
    %dma_wait3A_217 = tpu.memref_slice %arg15[%dma_wait3A_215, %dma_wait3A_216] : memref<1024x128xf32, #tpu.memory_space<vmem_shared>> -> memref<1024x128xf32, #tpu.memory_space<vmem_shared>>
    tpu.wait_indirect_dma semaphore(%arg20 : memref<!tpu.dma_semaphore, #tpu.memory_space<semaphore_mem>>) src(%arg9 : memref<128x128xf32, #tpu.memory_space<vmem>>) dst(%dma_wait3A_217 : memref<1024x128xf32, #tpu.memory_space<vmem_shared>>)
    %dma_wait3A_218 = arith.constant 0 : i32
    %dma_wait3A_219 = arith.constant 0 : i32
    %dma_wait3A_220 = tpu.memref_slice %arg16[%dma_wait3A_218, %dma_wait3A_219] : memref<1024x128xf32, #tpu.memory_space<vmem_shared>> -> memref<1024x128xf32, #tpu.memory_space<vmem_shared>>
    tpu.wait_indirect_dma semaphore(%arg20 : memref<!tpu.dma_semaphore, #tpu.memory_space<semaphore_mem>>) src(%arg11 : memref<128x128xf32, #tpu.memory_space<vmem>>) dst(%dma_wait3A_220 : memref<1024x128xf32, #tpu.memory_space<vmem_shared>>)
    %barrier3A_221 = arith.constant 0 : index
    tpu.barrier barrier_id(%barrier3A_221)
    "tpu.region"() ({
      %run_scoped3A = tpu.sem_alloc : memref<!tpu.dma_semaphore, #tpu.memory_space<semaphore_mem>>
      %dma_start3A_222 = arith.constant 0 : i32
      %dma_start3A_223 = tpu.memref_slice %arg5[%arg0, %mul3A_4, %dma_start3A_222] : memref<2x1024x256xf32, #tpu.memory_space<hbm>> -> memref<1x64x128xf32, #tpu.memory_space<hbm>>
      %dma_start3A_224 = tpu.memref_squeeze %dma_start3A_223 : memref<1x64x128xf32, #tpu.memory_space<hbm>> -> memref<64x128xf32, #tpu.memory_space<hbm>>
      %dma_start3A_225 = arith.constant 0 : i32
      %dma_start3A_226 = tpu.memref_slice %arg15[%mul3A_4, %dma_start3A_225] : memref<1024x128xf32, #tpu.memory_space<vmem_shared>> -> memref<64x128xf32, #tpu.memory_space<vmem_shared>>
      tpu.enqueue_dma source(%dma_start3A_226 : memref<64x128xf32, #tpu.memory_space<vmem_shared>>) target(%dma_start3A_224 : memref<64x128xf32, #tpu.memory_space<hbm>>) target_semaphore(%run_scoped3A : memref<!tpu.dma_semaphore, #tpu.memory_space<semaphore_mem>>)
      %dma_wait3A_227 = arith.constant 0 : i32
      %dma_wait3A_228 = tpu.memref_slice %arg5[%arg0, %mul3A_4, %dma_wait3A_227] : memref<2x1024x256xf32, #tpu.memory_space<hbm>> -> memref<1x64x128xf32, #tpu.memory_space<hbm>>
      %dma_wait3A_229 = tpu.memref_squeeze %dma_wait3A_228 : memref<1x64x128xf32, #tpu.memory_space<hbm>> -> memref<64x128xf32, #tpu.memory_space<hbm>>
      %dma_wait3A_230 = arith.constant 0 : i32
      %dma_wait3A_231 = tpu.memref_slice %arg15[%mul3A_4, %dma_wait3A_230] : memref<1024x128xf32, #tpu.memory_space<vmem_shared>> -> memref<64x128xf32, #tpu.memory_space<vmem_shared>>
      tpu.wait_dma2 semaphore(%run_scoped3A : memref<!tpu.dma_semaphore, #tpu.memory_space<semaphore_mem>>) src(%dma_wait3A_231 : memref<64x128xf32, #tpu.memory_space<vmem_shared>>) dst(%dma_wait3A_229 : memref<64x128xf32, #tpu.memory_space<hbm>>)
      tpu.yield
    }) : () -> ()
    "tpu.region"() ({
      %run_scoped3A = tpu.sem_alloc : memref<!tpu.dma_semaphore, #tpu.memory_space<semaphore_mem>>
      %dma_start3A_222 = arith.constant 128 : i32
      %dma_start3A_223 = tpu.memref_slice %arg5[%arg0, %mul3A_4, %dma_start3A_222] : memref<2x1024x256xf32, #tpu.memory_space<hbm>> -> memref<1x64x128xf32, #tpu.memory_space<hbm>>
      %dma_start3A_224 = tpu.memref_squeeze %dma_start3A_223 : memref<1x64x128xf32, #tpu.memory_space<hbm>> -> memref<64x128xf32, #tpu.memory_space<hbm>>
      %dma_start3A_225 = arith.constant 0 : i32
      %dma_start3A_226 = tpu.memref_slice %arg16[%mul3A_4, %dma_start3A_225] : memref<1024x128xf32, #tpu.memory_space<vmem_shared>> -> memref<64x128xf32, #tpu.memory_space<vmem_shared>>
      tpu.enqueue_dma source(%dma_start3A_226 : memref<64x128xf32, #tpu.memory_space<vmem_shared>>) target(%dma_start3A_224 : memref<64x128xf32, #tpu.memory_space<hbm>>) target_semaphore(%run_scoped3A : memref<!tpu.dma_semaphore, #tpu.memory_space<semaphore_mem>>)
      %dma_wait3A_227 = arith.constant 128 : i32
      %dma_wait3A_228 = tpu.memref_slice %arg5[%arg0, %mul3A_4, %dma_wait3A_227] : memref<2x1024x256xf32, #tpu.memory_space<hbm>> -> memref<1x64x128xf32, #tpu.memory_space<hbm>>
      %dma_wait3A_229 = tpu.memref_squeeze %dma_wait3A_228 : memref<1x64x128xf32, #tpu.memory_space<hbm>> -> memref<64x128xf32, #tpu.memory_space<hbm>>
      %dma_wait3A_230 = arith.constant 0 : i32
      %dma_wait3A_231 = tpu.memref_slice %arg16[%mul3A_4, %dma_wait3A_230] : memref<1024x128xf32, #tpu.memory_space<vmem_shared>> -> memref<64x128xf32, #tpu.memory_space<vmem_shared>>
      tpu.wait_dma2 semaphore(%run_scoped3A : memref<!tpu.dma_semaphore, #tpu.memory_space<semaphore_mem>>) src(%dma_wait3A_231 : memref<64x128xf32, #tpu.memory_space<vmem_shared>>) dst(%dma_wait3A_229 : memref<64x128xf32, #tpu.memory_space<hbm>>)
      tpu.yield
    }) : () -> ()
    return
  }
}

module attributes {stable_mosaic.version = 14 : i64} {
  func.func @_finalize_body(%arg0: memref<2x1024x256xf32, #tpu.memory_space<vmem>>, %arg1: memref<1024x256xf32, #tpu.memory_space<vmem>>, %arg2: memref<1024x256xf32, #tpu.memory_space<vmem>>) attributes {dimension_semantics = [], scalar_prefetch = 0 : i64, scratch_operands = 0 : i64, tpu.core_type = #tpu.core_type<tc>} {
    %get3A = arith.constant 0 : index
    %get3A_0 = arith.constant 0 : index
    %get3A_1 = arith.constant 0 : index
    %get3A_2 = vector.load %arg0[%get3A, %get3A_0, %get3A_1] : memref<2x1024x256xf32, #tpu.memory_space<vmem>>, vector<1x1024x256xf32>
    %get3A_3 = vector.shape_cast %get3A_2 : vector<1x1024x256xf32> to vector<1024x256xf32>
    %get3A_4 = arith.constant 1 : index
    %get3A_5 = arith.constant 0 : index
    %get3A_6 = arith.constant 0 : index
    %get3A_7 = vector.load %arg0[%get3A_4, %get3A_5, %get3A_6] : memref<2x1024x256xf32, #tpu.memory_space<vmem>>, vector<1x1024x256xf32>
    %get3A_8 = vector.shape_cast %get3A_7 : vector<1x1024x256xf32> to vector<1024x256xf32>
    %add3A = arith.addf %get3A_3, %get3A_8 : vector<1024x256xf32>
    %get3A_9 = arith.constant 0 : index
    %get3A_10 = arith.constant 0 : index
    %get3A_11 = vector.load %arg1[%get3A_9, %get3A_10] : memref<1024x256xf32, #tpu.memory_space<vmem>>, vector<1024x256xf32>
    %add3A_12 = arith.addf %add3A, %get3A_11 : vector<1024x256xf32>
    %mul3A = arith.mulf %add3A_12, %add3A_12 : vector<1024x256xf32>
    %reduce_sum3A = arith.constant dense<0.000000e+00> : vector<1024xf32>
    %reduce_sum3A_13 = vector.multi_reduction <add>, %mul3A, %reduce_sum3A [1] : vector<1024x256xf32> to vector<1024xf32>
    %broadcast_in_dim3A = vector.shape_cast %reduce_sum3A_13 : vector<1024xf32> to vector<1024x1xf32>
    %sqrt3A = math.sqrt %broadcast_in_dim3A : vector<1024x1xf32>
    %max3A = arith.constant 9.99999996E-13 : f32
    %max3A_14 = vector.broadcast %max3A : f32 to vector<1024x1xf32>
    %max3A_15 = arith.maximumf %sqrt3A, %max3A_14 : vector<1024x1xf32>
    %div3A = vector.broadcast %max3A_15 : vector<1024x1xf32> to vector<1024x256xf32>
    %div3A_16 = arith.divf %add3A_12, %div3A : vector<1024x256xf32>
    %swap3A = arith.constant 0 : index
    %swap3A_17 = arith.constant 0 : index
    %swap3A_18 = vector.load %arg2[%swap3A, %swap3A_17] : memref<1024x256xf32, #tpu.memory_space<vmem>>, vector<1024x256xf32>
    tpu.vector_store %arg2[%swap3A, %swap3A_17], %div3A_16 {strides = array<i32>} : memref<1024x256xf32, #tpu.memory_space<vmem>>, vector<1024x256xf32>,
    return
  }
}

module attributes {stable_mosaic.version = 14 : i64} {
  func.func @_stats_body(%arg0: i32, %arg1: memref<1024x256xf32, #tpu.memory_space<vmem>>, %arg2: memref<2048x256xf32, #tpu.memory_space<vmem>>, %arg3: memref<1x1x2048xi32, #tpu.memory_space<vmem>>, %arg4: memref<1x2048x16xf32, #tpu.memory_space<vmem>>, %arg5: memref<8x2048xf32, #tpu.memory_space<vmem>>, %arg6: memref<8x2048xi32, #tpu.memory_space<vmem>>, %arg7: memref<1024x1xf32, #tpu.memory_space<vmem>>) attributes {dimension_semantics = [#tpu.dimension_semantics<arbitrary>], iteration_bounds = array<i64: 16>, scalar_prefetch = 0 : i64, scratch_operands = 3 : i64, tpu.core_type = #tpu.core_type<tc>, window_params = [{pipeline_mode = #tpu.pipeline_mode<synchronous>, transform_indices = @transform_0, window_bounds = array<i64: 1024, 256>}, {transform_indices = @transform_1, window_bounds = array<i64: 2048, 256>}, {transform_indices = @transform_2, window_bounds = array<i64: 1, 1, 2048>}, {transform_indices = @transform_3, window_bounds = array<i64: 1, 2048, 16>}]} {
    %lt3A = arith.constant 8 : i32
    %lt3A_0 = arith.cmpi slt, %arg0, %lt3A : i32
    %convert_element_type3A = arith.extui %lt3A_0 : i1 to i32
    %cond3A = arith.constant 0 : i32
    %cond3A_1 = arith.cmpi ne, %convert_element_type3A, %cond3A : i32
    scf.if %cond3A_1 {
      %get3A = arith.constant 0 : index
      %get3A_6 = arith.constant 0 : index
      %get3A_7 = vector.load %arg1[%get3A, %get3A_6] : memref<1024x256xf32, #tpu.memory_space<vmem>>, vector<1024x256xf32>
      %get3A_8 = arith.constant 0 : index
      %get3A_9 = arith.constant 0 : index
      %get3A_10 = vector.load %arg2[%get3A_8, %get3A_9] : memref<2048x256xf32, #tpu.memory_space<vmem>>, vector<2048x256xf32>
      %dot_general3A = arith.constant dense<0.000000e+00> : vector<1024x2048xf32>
      %dot_general3A_11 = tpu.matmul %get3A_7, %get3A_10, %dot_general3A {dimension_numbers = #tpu.dot_dimension_numbers<[1], [1], [0], [0], [0, 0, 1, 0], [], []>, transpose_lhs_hint = false} : vector<1024x256xf32>, vector<2048x256xf32>, vector<1024x2048xf32> -> vector<1024x2048xf32>
      %reduce_max3A = arith.constant dense<0xFF800000> : vector<2048xf32>
      %reduce_max3A_12 = vector.multi_reduction <maximumf>, %dot_general3A_11, %reduce_max3A [0] : vector<1024x2048xf32> to vector<2048xf32>
      %argmax3A = tpu.reduce_index %dot_general3A_11 {axis = 0 : i32, kind = #tpu.reduction_kind<arg_max>} : vector<1024x2048xf32> -> vector<2048xi32>
      %reshape3A = vector.shape_cast %argmax3A : vector<2048xi32> to vector<1x1x2048xi32>
      %swap3A = arith.constant 0 : index
      %swap3A_13 = arith.constant 0 : index
      %swap3A_14 = arith.constant 0 : index
      %swap3A_15 = vector.load %arg3[%swap3A, %swap3A_13, %swap3A_14] : memref<1x1x2048xi32, #tpu.memory_space<vmem>>, vector<1x1x2048xi32>
      tpu.vector_store %arg3[%swap3A, %swap3A_13, %swap3A_14], %reshape3A {strides = array<i32>} : memref<1x1x2048xi32, #tpu.memory_space<vmem>>, vector<1x1x2048xi32>,
      %swap3A_16 = arith.index_cast %arg0 : i32 to index
      %swap3A_17 = arith.constant 0 : index
      %swap3A_18 = vector.load %arg5[%swap3A_16, %swap3A_17] : memref<8x2048xf32, #tpu.memory_space<vmem>>, vector<1x2048xf32>
      %swap3A_19 = vector.shape_cast %swap3A_18 : vector<1x2048xf32> to vector<2048xf32>
      %swap3A_20 = vector.shape_cast %reduce_max3A_12 : vector<2048xf32> to vector<1x2048xf32>
      tpu.vector_store %arg5[%swap3A_16, %swap3A_17], %swap3A_20 {strides = array<i32>} : memref<8x2048xf32, #tpu.memory_space<vmem>>, vector<1x2048xf32>,
      %swap3A_21 = arith.index_cast %arg0 : i32 to index
      %swap3A_22 = arith.constant 0 : index
      %swap3A_23 = vector.load %arg6[%swap3A_21, %swap3A_22] : memref<8x2048xi32, #tpu.memory_space<vmem>>, vector<1x2048xi32>
      %swap3A_24 = vector.shape_cast %swap3A_23 : vector<1x2048xi32> to vector<2048xi32>
      %swap3A_25 = vector.shape_cast %argmax3A : vector<2048xi32> to vector<1x2048xi32>
      tpu.vector_store %arg6[%swap3A_21, %swap3A_22], %swap3A_25 {strides = array<i32>} : memref<8x2048xi32, #tpu.memory_space<vmem>>, vector<1x2048xi32>,
      %reduce_max3A_26 = arith.constant dense<0xFF800000> : vector<1024xf32>
      %reduce_max3A_27 = vector.multi_reduction <maximumf>, %dot_general3A_11, %reduce_max3A_26 [1] : vector<1024x2048xf32> to vector<1024xf32>
      %reshape3A_28 = vector.shape_cast %reduce_max3A_27 : vector<1024xf32> to vector<1024x1xf32>
      %eq3A = arith.constant 0 : i32
      %eq3A_29 = arith.cmpi eq, %arg0, %eq3A : i32
      %convert_element_type3A_30 = arith.extui %eq3A_29 : i1 to i32
      %cond3A_31 = arith.constant 0 : i32
      %cond3A_32 = arith.cmpi ne, %convert_element_type3A_30, %cond3A_31 : i32
      scf.if %cond3A_32 {
        %swap3A_37 = arith.constant 0 : index
        %swap3A_38 = arith.constant 0 : index
        %swap3A_39 = vector.load %arg7[%swap3A_37, %swap3A_38] : memref<1024x1xf32, #tpu.memory_space<vmem>>, vector<1024x1xf32>
        tpu.vector_store %arg7[%swap3A_37, %swap3A_38], %reshape3A_28 {strides = array<i32>} : memref<1024x1xf32, #tpu.memory_space<vmem>>, vector<1024x1xf32>,
      } else {
      }
      %gt3A = arith.constant 0 : i32
      %gt3A_33 = arith.cmpi sgt, %arg0, %gt3A : i32
      %convert_element_type3A_34 = arith.extui %gt3A_33 : i1 to i32
      %cond3A_35 = arith.constant 0 : i32
      %cond3A_36 = arith.cmpi ne, %convert_element_type3A_34, %cond3A_35 : i32
      scf.if %cond3A_36 {
        %get3A_37 = arith.constant 0 : index
        %get3A_38 = arith.constant 0 : index
        %get3A_39 = vector.load %arg7[%get3A_37, %get3A_38] : memref<1024x1xf32, #tpu.memory_space<vmem>>, vector<1024x1xf32>
        %max3A = arith.maximumf %get3A_39, %reshape3A_28 : vector<1024x1xf32>
        %swap3A_40 = arith.constant 0 : index
        %swap3A_41 = arith.constant 0 : index
        %swap3A_42 = vector.load %arg7[%swap3A_40, %swap3A_41] : memref<1024x1xf32, #tpu.memory_space<vmem>>, vector<1024x1xf32>
        tpu.vector_store %arg7[%swap3A_40, %swap3A_41], %max3A {strides = array<i32>} : memref<1024x1xf32, #tpu.memory_space<vmem>>, vector<1024x1xf32>,
      } else {
      }
    } else {
    }
    %ge3A = arith.constant 8 : i32
    %ge3A_2 = arith.cmpi sge, %arg0, %ge3A : i32
    %convert_element_type3A_3 = arith.extui %ge3A_2 : i1 to i32
    %cond3A_4 = arith.constant 0 : i32
    %cond3A_5 = arith.cmpi ne, %convert_element_type3A_3, %cond3A_4 : i32
    scf.if %cond3A_5 {
      %sub3A = arith.constant 8 : i32
      %sub3A_6 = arith.subi %arg0, %sub3A : i32
      %get3A = arith.index_cast %sub3A_6 : i32 to index
      %get3A_7 = arith.constant 0 : index
      %get3A_8 = vector.load %arg5[%get3A, %get3A_7] : memref<8x2048xf32, #tpu.memory_space<vmem>>, vector<1x2048xf32>
      %get3A_9 = vector.shape_cast %get3A_8 : vector<1x2048xf32> to vector<2048xf32>
      %get3A_10 = arith.index_cast %sub3A_6 : i32 to index
      %get3A_11 = arith.constant 0 : index
      %get3A_12 = vector.load %arg6[%get3A_10, %get3A_11] : memref<8x2048xi32, #tpu.memory_space<vmem>>, vector<1x2048xi32>
      %get3A_13 = vector.shape_cast %get3A_12 : vector<1x2048xi32> to vector<2048xi32>
      %iota3A = tpu.iota {dimensions = array<i32: 0>} : vector<1024x2048xi32>
      %get3A_14 = arith.constant 0 : index
      %get3A_15 = arith.constant 0 : index
      %get3A_16 = vector.load %arg7[%get3A_14, %get3A_15] : memref<1024x1xf32, #tpu.memory_space<vmem>>, vector<1024x1xf32>
      %broadcast_in_dim3A = vector.shape_cast %get3A_16 : vector<1024x1xf32> to vector<1024x1xf32>
      %broadcast_in_dim3A_17 = vector.broadcast %broadcast_in_dim3A : vector<1024x1xf32> to vector<1024x2048xf32>
      %broadcast_in_dim3A_18 = vector.shape_cast %get3A_13 : vector<2048xi32> to vector<1x2048xi32>
      %eq3A = vector.broadcast %broadcast_in_dim3A_18 : vector<1x2048xi32> to vector<1024x2048xi32>
      %eq3A_19 = arith.cmpi eq, %iota3A, %eq3A : vector<1024x2048xi32>
      %jit3A = arith.constant 0xFF800000 : f32
      %broadcast_in_dim3A_20 = vector.broadcast %jit3A : f32 to vector<1024x2048xf32>
      %select_n3A = arith.select %eq3A_19, %broadcast_in_dim3A_17, %broadcast_in_dim3A_20 : vector<1024x2048xi1>, vector<1024x2048xf32>
      %reduce_max3A = arith.constant dense<0xFF800000> : vector<2048xf32>
      %reduce_max3A_21 = vector.multi_reduction <maximumf>, %select_n3A, %reduce_max3A [0] : vector<1024x2048xf32> to vector<2048xf32>
      %sub3A_22 = arith.subf %get3A_9, %reduce_max3A_21 : vector<2048xf32>
      %exp3A = math.exp %sub3A_22 : vector<2048xf32>
      %broadcast_in_dim3A_23 = vector.shape_cast %exp3A : vector<2048xf32> to vector<2048x1xf32>
      %broadcast_in_dim3A_24 = vector.shape_cast %broadcast_in_dim3A_23 : vector<2048x1xf32> to vector<2048x1xf32>
      %broadcast_in_dim3A_25 = vector.broadcast %broadcast_in_dim3A_24 : vector<2048x1xf32> to vector<2048x16xf32>
      %reshape3A = vector.shape_cast %broadcast_in_dim3A_25 : vector<2048x16xf32> to vector<1x2048x16xf32>
      %swap3A = arith.constant 0 : index
      %swap3A_26 = arith.constant 0 : index
      %swap3A_27 = arith.constant 0 : index
      %swap3A_28 = vector.load %arg4[%swap3A, %swap3A_26, %swap3A_27] : memref<1x2048x16xf32, #tpu.memory_space<vmem>>, vector<1x2048x16xf32>
      tpu.vector_store %arg4[%swap3A, %swap3A_26, %swap3A_27], %reshape3A {strides = array<i32>} : memref<1x2048x16xf32, #tpu.memory_space<vmem>>, vector<1x2048x16xf32>,
    } else {
    }
    return
  }
  func.func @transform_0(%arg0: i32) -> (i32, i32) {
    %c0_i32 = arith.constant 0 : i32
    %c0_i32_0 = arith.constant 0 : i32
    %c0_i32_1 = arith.constant 0 : i32
    return %c0_i32, %c0_i32_0 : i32, i32
  }
  func.func @transform_1(%arg0: i32) -> (i32, i32) {
    %min3A = arith.constant 7 : i32
    %min3A_0 = arith.minsi %arg0, %min3A : i32
    %c0_i32 = arith.constant 0 : i32
    %c0_i32_1 = arith.constant 0 : i32
    return %min3A_0, %c0_i32 : i32, i32
  }
  func.func @transform_2(%arg0: i32) -> (i32, i32, i32) {
    %min3A = arith.constant 7 : i32
    %min3A_0 = arith.minsi %arg0, %min3A : i32
    %c0_i32 = arith.constant 0 : i32
    %c0_i32_1 = arith.constant 0 : i32
    %c0_i32_2 = arith.constant 0 : i32
    return %min3A_0, %c0_i32, %c0_i32_1 : i32, i32, i32
  }
  func.func @transform_3(%arg0: i32) -> (i32, i32, i32) {
    %sub3A = arith.constant 8 : i32
    %sub3A_0 = arith.subi %arg0, %sub3A : i32
    %max3A = arith.constant 0 : i32
    %max3A_1 = arith.maxsi %sub3A_0, %max3A : i32
    %c0_i32 = arith.constant 0 : i32
    %c0_i32_2 = arith.constant 0 : i32
    %c0_i32_3 = arith.constant 0 : i32
    return %max3A_1, %c0_i32, %c0_i32_2 : i32, i32, i32
  }
}

</mosaic_0001>

<sc_bundles>
// kernel: kernel.5.cloned.1.call-start
scs
__scs_entry_jumppad:
0x0: {  	(pc) =	sbr.rel $0x88, $3  }
0x1: {  	(tag) =	ssettag $0x0;
	lr =	simm.s32 $0x1  }
0x2: {  	[smem:$0x3F9E] =	sst lr;
	_ =	strace $0xD0000000  }
0x3: {  	_ = 	snop  }
0x4: {  	_ = 	snop  }
0x5: {  	_ = 	snop  }
0x6: {  	_ = 	snop  }
0x7: {  	_ = 	snop  }
__scs_overlays_trampoline_lowered:
0x8: {  	[smem:$0x3FAD] =	sst s0  }
0x9: {  	[smem:$0x3FAE] =	sst s1  }
0xa: {  	[smem:$0x3FAF] =	sst s2  }
0xb: {  	[smem:$0x3FB0] =	sst s3  }
0xc: {  	[smem:$0x3FB1] =	sst s4  }
0xd: {  	[smem:$0x3FB2] =	sst s5  }
0xe: {  	[smem:$0x3FB3] =	sst s6  }
0xf: {  	[smem:$0x3FB4] =	sst s7  }
0x10: {  	[smem:$0x3FB5] =	sst s8  }
0x11: {  	[smem:$0x3FB6] =	sst s9;
	s0 =	simm.s32 @!p0 $0x0  }
0x12: {  	s1 =	sld [smem:$0x3F9C];
	s0 =	simm.s32 @p0 $0x1  }
0x13: {  	[smem:$0x3FB7] =	sst s0;
	s0 =	simm.s32 @!p1 $0x0  }
0x14: {  	s2 =	sld [smem:$0x3F9B];
	s0 =	simm.s32 @p1 $0x1  }
0x15: {  	[smem:$0x3FB8] =	sst s0;
	s0 =	simm.s32 @!p2 $0x0  }
0x16: {  	s3 =	sld [smem:$0x3FDB];
	s0 =	simm.s32 @p2 $0x1  }
0x17: {  	s4 =	simm.s32 $0x1BF5;
	[smem:$0x3FBA] =	sst s0  }
0x18: {  	s0 =	sld [smem:$0x3F9D];
	_ =	swait.ge [sflag:s4], $0x0  }
0x19: {  	s7 =	sld [smem:$0x3F9E]  }
0x1a: {  	s8 =	sadd.s32 $0xFFFFE003, lr  }
0x1b: {  	s9 =	sadd.s32 $0xFFFFFEF7, lr;
	s5 =	simm.s32 $0xFFFFFFFF;
	p2 =	slt.u32 s8, $0xFFFFF086  }
0x1c: {  	p1 =	slt.u32 s9, $0xF7A;
	s5 =	simm.s32 @!p2 $0x0  }
0x1d: {  	s5 =	simm.s32 @p1 $0x1;
	p0 =	seq.s32 s7, s2  }
0x1e: {  	s7 =	smul.u32 @!p0 $0xF7A, s2;
	p2 =	seq.s32 @!p0 s5, $0x0  }
0x1f: {  	s9 =	smul.u32 $0xF7A, s1;
	s8 =	simm.s32 @!p0 $0x1BF5;
	p2 =	por !p2, p0  }
0x20: {  	[sflag:s8] =	ssyncset.s32 @!p0 $0xFFFFF086;
	s6 =	sadd.s32 @!p0 s3, s7;
	s7 =	simm.s32 @!p0 $0x108  }
0x21: {  	s3 =	sadd.s32 s3, s9;
	s6 =	sadd.s32 @!p0 $0x88, s6;
	s7 =	simm.s32 @p2 $0x1082  }
0x22: {  	[simem:s7], [sflag:s8] =	dma.local @!p0 [hbm:s6], $0xF7A  }
0x23: {  	s9 =	sor.u32 $0xD0000000, s2;
	s6 =	simm.s32 $0x108;
	_ =	swait.ge @!p0 [sflag:s8], $0x0  }
0x24: {  	s3 =	sadd.s32 $0x88, s3;
	s6 =	simm.s32 @!p1 $0x1082;
	[sflag:s4] =	ssyncset.s32 $0xFFFFF086  }
0x25: {  	[simem:s6], [sflag:s4] =	dma.local [hbm:s3], $0xF7A  }
0x26: {  	[smem:$0x3F9E] =	sst s1;
	(tag) =	ssettag s2;
	_ =	strace s9  }
0x27: {  	s1 =	sld [smem:$0x3FAE]  }
0x28: {  	s2 =	sld [smem:$0x3FAF]  }
0x29: {  	s4 =	sld [smem:$0x3FB1]  }
0x2a: {  	p0 =	seq.s32 s5, $0x0;
	s5 =	sld [smem:$0x3FB2]  }
0x2b: {  	s6 =	sld [smem:$0x3FB3]  }
0x2c: {  	s7 =	sld [smem:$0x3FB4]  }
0x2d: {  	s3 =	simm.s32 $0x108;
	s8 =	sld [smem:$0x3FB5]  }
0x2e: {  	s3 =	simm.s32 @!p0 $0x1082;
	s9 =	sld [smem:$0x3FB6]  }
0x2f: {  	lr =	sadd.s32 s0, s3;
	s0 =	sld [smem:$0x3FAD]  }
0x30: {  	s3 =	sld [smem:$0x3FB0]  }
0x31: {  	[smem:$0x3FB9] =	sst s10  }
0x32: {  	s10 =	sld [smem:$0x3FB7];
	_ =	sdelay $0x3  }
0x33: {  	p0 =	seq.s32 s10, $0x1;
	s10 =	sld [smem:$0x3FB9];
	_ =	sdelay $0x3  }
0x34: {  	[smem:$0x3FB9] =	sst s10  }
0x35: {  	s10 =	sld [smem:$0x3FB8];
	_ =	sdelay $0x3  }
0x36: {  	p1 =	seq.s32 s10, $0x1;
	s10 =	sld [smem:$0x3FB9];
	_ =	sdelay $0x3  }
0x37: {  	[smem:$0x3FB9] =	sst s10  }
0x38: {  	s10 =	sld [smem:$0x3FBA]  }
0x39: {  	_ = 	snop;
	(pc) =	sbr.ind lr, $3  }
0x3a: {  	_ = 	snop  }
0x3b: {  	_ = 	snop  }
0x3c: {  	p2 =	seq.s32 s10, $0x1;
	s10 =	sld [smem:$0x3FB9]  }
0x3d: {  	_ =	shalt  }
0x3e: {  	_ =	shalt  }
0x3f: {  	_ =	shalt  }
0x40: {  	_ =	shalt  }
0x41: {  	_ =	shalt  }
0x42: {  	_ =	shalt  }
0x43: {  	_ =	shalt  }
0x44: {  	_ =	shalt  }
0x45: {  	_ =	shalt  }
0x46: {  	_ =	shalt  }
0x47: {  	_ =	shalt  }
0x48: {  	_ =	shalt  }
0x49: {  	_ =	shalt  }
0x4a: {  	_ =	shalt  }
0x4b: {  	_ =	shalt  }
0x4c: {  	_ =	shalt  }
0x4d: {  	_ =	shalt  }
0x4e: {  	_ =	shalt  }
0x4f: {  	_ =	shalt  }
0x50: {  	_ =	shalt  }
0x51: {  	_ =	shalt  }
0x52: {  	_ =	shalt  }
0x53: {  	_ =	shalt  }
0x54: {  	_ =	shalt  }
0x55: {  	_ =	shalt  }
0x56: {  	_ =	shalt  }
0x57: {  	_ =	shalt  }
0x58: {  	_ =	shalt  }
0x59: {  	_ =	shalt  }
0x5a: {  	_ =	shalt  }
0x5b: {  	_ =	shalt  }
0x5c: {  	_ =	shalt  }
0x5d: {  	_ =	shalt  }
0x5e: {  	_ =	shalt  }
0x5f: {  	_ =	shalt  }
0x60: {  	_ =	shalt  }
0x61: {  	_ =	shalt  }
0x62: {  	_ =	shalt  }
0x63: {  	_ =	shalt  }
0x64: {  	_ =	shalt  }
0x65: {  	_ =	shalt  }
0x66: {  	_ =	shalt  }
0x67: {  	_ =	shalt  }
0x68: {  	_ =	shalt  }
0x69: {  	_ =	shalt  }
0x6a: {  	_ =	shalt  }
0x6b: {  	_ =	shalt  }
0x6c: {  	_ =	shalt  }
0x6d: {  	_ =	shalt  }
0x6e: {  	_ =	shalt  }
0x6f: {  	_ =	shalt  }
0x70: {  	_ =	shalt  }
0x71: {  	_ =	shalt  }
0x72: {  	_ =	shalt  }
0x73: {  	_ =	shalt  }
0x74: {  	_ =	shalt  }
0x75: {  	_ =	shalt  }
0x76: {  	_ =	shalt  }
0x77: {  	_ =	shalt  }
0x78: {  	_ =	shalt  }
0x79: {  	_ =	shalt  }
0x7a: {  	_ =	shalt  }
0x7b: {  	_ =	shalt  }
0x7c: {  	_ =	shalt  }
0x7d: {  	_ =	shalt  }
0x7e: {  	_ =	shalt  }
0x7f: {  	_ =	shalt  }
0x80: {  	_ =	shalt  }
0x81: {  	_ =	shalt  }
0x82: {  	_ =	shalt  }
0x83: {  	_ =	shalt  }
0x84: {  	_ =	shalt  }
0x85: {  	_ =	shalt  }
0x86: {  	_ =	shalt  }
0x87: {  	_ =	shalt  }
.Lfunc_end0:
.L_simem_size_0:
called_computation_lowered:
.L_overlay_start_0:
0x88: {  	s2 =	sld [smem:$0x3FD9]  }
0x89: {  	s3 =	sld [smem:$0x3FFE];
	_ =	sdelay $0x1  }
0x8a: {  	s1 =	srdreg.scid  }
0x8b: {  	s0 =	sand.u32 $0x1, s1  }
0x8c: {  	s17 =	sshll.u32 s0, $0xA;
	s2 =	sadd.s32 s3, s2  }
0x8d: {  	s2 =	sadd.s32 s2, s17  }
0x8e: {  	[smem:$0x3FC5] =	sst s2  }
0x8f: {  	_ = 	snop  }
0x90: {  	s2 =	sld [smem:$0x3FC7]  }
0x91: {  	s18 =	sld [smem:$0x3FD0];
	(tm) =	ssettm $0x1  }
0x92: {  	s4 =	sld [smem:$0x3FFB];
	_ =	sdelay $0x3  }
0x93: {  	_ =	strace s4  }
0x94: {  	s4 =	sld [smem:$0x3FFC];
	_ =	sdelay $0x3  }
0x95: {  	_ =	strace s4  }
0x96: {  	s4 =	sld [smem:$0x3FFD];
	_ =	sdelay $0x3  }
0x97: {  	_ =	strace s4  }
0x98: {  	_ =	strace $0x8FFFFFFF  }
0x99: {  	s19 =	sld [smem:$0x3FDB];
	_ =	sdelay $0x1  }
0x9a: {  	s5 =	simm.s32 $_scs_section_size  }
0x9b: {  	s6 =	simm.s32 $_size__tile_overlayer_lowered;
	s7 =	simm.s32 $_tile_overlayer_lowered  }
0x9c: {  	s22 =	simm.s32 $0x1BFF;
	s21 =	sshll.u32 s7, $0x1;
	s4 =	sadd.s32 s5, s19  }
0x9d: {  	s8 =	simm.s32 $0x0;
	s20 =	sshll.u32 s6, $0x1;
	s6 =	sadd.s32 s21, s4  }
0x9e: {  	[timem:s8], [sflag:s22] =	dma.local [hbm:s6], s20  }
0x9f: {  	_ =	swait.ge [sflag:s22], s20  }
0xa0: {  	s5 =	ssub.s32 $0x0, s20;
	[sflag:s22] =	ssyncset.done $0x0  }
0xa1: {  	[sflag:s22] =	ssyncadd.s32 s5;
	_ =	sdelay $0x1  }
0xa2: {  	s23 =	simm.s32 $0x1B8B  }
0xa3: {  	_ =	swait.ge [sflag:s23], $0x1  }
0xa4: {  	[sflag:s23] =	ssyncset.done $0x0  }
0xa5: {  	s25 =	simm.s32 $0x1B8E;
	s24 =	sld [smem:$0x3FFE];
	[sflag:s23] =	ssyncadd.s32 $0xFFFFFFFF  }
0xa6: {  	s26 =	simm.s32 $execute0_lowered;
	[smem:$0x3FD2] =	sst s25  }
0xa7: {  	s6 =	sshll.u32 s26, $0x1;
	_ =	strace $0x80000046;
	[dreg:$0x1] =	wrdreg $0xFFFFFFFF  }
0xa8: {  	s28 =	simm.s32 $_size_execute0_lowered;
	s4 =	sadd.s32 s4, s6;
	[dreg:$0x0] =	wrdreg $0x0  }
0xa9: {  	s6 =	sshll.u32 s28, $0x1;
	[dreg:$0x2] =	wrdreg s4  }
0xaa: {  	[dreg:$0x3] =	wrdreg s6  }
0xab: {  	[dreg:$0x4] =	wrdreg $0xC0  }
0xac: {  	_ =	task [dreg:s8], $0x5FFFF  }
0xad: {  	[dreg:$0x1] =	wrdreg $0xFFFFFFFF  }
0xae: {  	[dreg:$0x0] =	wrdreg $0x60  }
0xaf: {  	[dreg:$0x2] =	wrdreg s18  }
0xb0: {  	[dreg:$0x3] =	wrdreg s24  }
0xb1: {  	[dreg:$0x4] =	wrdreg s2  }
0xb2: {  	[dreg:$0x5] =	wrdreg $0x191000  }
0xb3: {  	[dreg:$0x6] =	wrdreg $0x1B1000  }
0xb4: {  	[dreg:$0x7] =	wrdreg $0x9  }
0xb5: {  	_ =	task.clear_ibuf [dreg:s8], $0x8FFFF;
	_ =	strace $0x90000046  }
0xb6: {  	s29 =	simm.s32 $0x9;
	_ =	strace $0x80000048  }
0xb7: {  	_ =	swait.ge [sflag:s29], $0x1  }
0xb8: {  	[sflag:s29] =	ssyncadd.s32 $0xFFFFFFFF  }
0xb9: {  	_ =	strace $0x90000048  }
0xba: {  	_ =	sfence  }
0xbb: {  	s30 =	sld [smem:$0x0];
	_ =	sdelay $0x2  }
0xbc: {  	s31 =	sshll.u32 s1, $0xD;
	s1 =	sshrl.u32 s1, $0x2  }
0xbd: {  	s3 =	sand.u32 $0x4000, s31;
	s1 =	sadd.s32 s1, s30  }
0xbe: {  	s0 =	sor.u32 s3, s0;
	s1 =	sshll.u32 s1, $0x11  }
0xbf: {  	s0 =	sor.u32 s1, s0  }
0xc0: {  	s0 =	sadd.s32 $0x8F2B, s0  }
0xc1: {  	[sflag:s0] =	ssyncadd.remote.s32 $0x1  }
0xc2: {  	_ =	sfence.sel $0xFFFF  }
0xc3: {  	[dreg:$0x0] =	wrdreg $0xFFFFFFFF;
	(pc) =	sbr.abs _section_cstart, $3  }
0xc4: {  	[dreg:$0x1] =	wrdreg $0xFFFFFFFF  }
0xc5: {  	_ =	task.clear_ibuf [dreg:s8], $0x2FFFF;
	_ =	strace $0x9FFFFFFF  }
0xc6: {  	(tm) =	ssettm $0x7FFFFFFF  }
0xc7: {  	_ =	shalt  }
tec
execute0_lowered:
.L_overlay_start_1:
0x0: {  	(tag) =	ssettag $0x1  }
0x1: {  	s0 =	rddreg [dreg:$0x0]  }
0x2: {  	s2 =	rddreg [dreg:$0x1]  }
0x3: {  	s4 =	rddreg [dreg:$0x2]  }
0x4: {  	s1 =	rddreg [dreg:$0x3]  }
0x5: {  	s3 =	rddreg [dreg:$0x4];
	s5 =	srdreg.scid  }
0x6: {  	s6 =	simm.s32 $0x0;
	s10 =	stileid.u32;
	s30 =	simm.s32 $0x1  }
0x7: {  	s31 =	simm.s32 $0xC000;
	s5 =	sand.u32 $0x1, s5;
	[smem:$0x7FF] =	sst s6  }
0x8: {  	s23 =	sshll.u32 s10, $0xB;
	s8 =	sadd.s32 $0xE00, s2;
	s9 =	sshll.u32 s10, $0xA  }
0x9: {  	s28 =	sadd.s32 $0x80, s4;
	s7 =	sshll.u32 s5, $0xF;
	_ =	strace $0x80000047  }
0xa: {  	s24 =	ssub.s32 $0x2, s5;
	s5 =	sshll.u32 s5, $0x9;
	s6 =	sor.u32 s23, s7  }
0xb: {  	s25 =	sshrl.u32 s24, $0x1;
	s5 =	sor.u32 s5, s9;
	s7 =	sshll.u32 s10, $0xD  }
0xc: {  	s2 =	sadd.s32 s6, s2;
	s6 =	ssub.s32 s24, s25;
	s9 =	sshll.u32 s5, $0x5  }
0xd: {  	s11 =	sshll.u32 s5, $0x4;
	s16 =	sor.u32 $0x80, s5;
	s17 =	sshrl.u32 s5, $0x3  }
0xe: {  	s13 =	sor.u32 $0x100, s5;
	s5 =	sor.u32 $0x180, s5;
	s26 =	sadd.s32 s4, s9  }
0xf: {  	s9 =	sadd.s32 s9, s28;
	s15 =	sadd.s32 s8, s11;
	[dreg:$0x6] =	wrdreg s26  }
0x10: {  	s12 =	sshll.u32 s16, $0x5;
	s18 =	sshll.u32 s13, $0x5;
	[dreg:$0x7] =	wrdreg s9  }
0x11: {  	s19 =	sshll.u32 s16, $0x4;
	[dreg:$0x8] =	wrdreg s15;
	s14 =	sadd.s32 s4, s12  }
0x12: {  	s20 =	sshll.u32 s13, $0x4;
	s12 =	sadd.s32 s12, s28;
	[dreg:$0x9] =	wrdreg s14  }
0x13: {  	s21 =	sshll.u32 s5, $0x5;
	s15 =	sadd.s32 s4, s18;
	[dreg:$0xa] =	wrdreg s12  }
0x14: {  	s23 =	sshll.u32 s5, $0x4;
	s4 =	sadd.s32 s4, s21;
	[dreg:$0xb] =	wrdreg s15  }
0x15: {  	s10 =	sshrl.u32 s13, $0x3;
	s22 =	sadd.s32 s21, s28;
	[dreg:$0xd] =	wrdreg s4  }
0x16: {  	s5 =	sshrl.u32 s5, $0x3;
	s24 =	sadd.s32 s8, s19;
	[dreg:$0xe] =	wrdreg s22  }
0x17: {  	s13 =	sor.u32 $0x1000, s7;
	s25 =	sadd.s32 s8, s20;
	[dreg:$0xf] =	wrdreg s24  }
0x18: {  	s26 =	sor.u32 $0x800, s7;
	s12 =	sadd.s32 s18, s28;
	[dreg:$0x10] =	wrdreg s25  }
0x19: {  	s9 =	sshrl.u32 s16, $0x3;
	s4 =	sadd.s32 s8, s23;
	[dreg:$0xc] =	wrdreg s12  }
0x1a: {  	s28 =	sadd.s32 s0, s17;
	s8 =	sadd.s32 s0, s9;
	[dreg:$0x11] =	wrdreg s4  }
0x1b: {  	s11 =	sadd.s32 s26, s1;
	s23 =	sadd.s32 s7, s1;
	[dreg:$0x12] =	wrdreg s28  }
0x1c: {  	s24 =	sadd.s32 s7, s3;
	s17 =	sadd.s32 $0x40E00, s2;
	[dreg:$0x13] =	wrdreg s8  }
0x1d: {  	s14 =	sor.u32 $0x1800, s7;
	s2 =	sadd.s32 $0x40E80, s2;
	[dreg:$0x1b] =	wrdreg s17  }
0x1e: {  	s15 =	sadd.s32 s13, s1;
	s18 =	smax.u32 s6, $0x1;
	[dreg:$0x1c] =	wrdreg s2  }
0x1f: {  	s6 =	simm.s32 $0x2;
	s7 =	simm.s32 $0x3;
	[dreg:$0x1d] =	wrdreg s18  }
0x20: {  	s8 =	sadd.s32 s0, s10;
	s0 =	sadd.s32 s0, s5;
	[dreg:$0x16] =	wrdreg s11  }
0x21: {  	s12 =	sadd.s32 s26, s3;
	s16 =	sadd.s32 s14, s1;
	[dreg:$0x18] =	wrdreg s15  }
0x22: {  	s29 =	sadd.s32 s14, s3;
	s19 =	sadd.s32 $0x400, s23;
	[dreg:$0x14] =	wrdreg s8  }
0x23: {  	s20 =	sadd.s32 $0x400, s24;
	s21 =	sadd.s32 $0x400, s11;
	[dreg:$0x15] =	wrdreg s0  }
0x24: {  	s25 =	sadd.s32 $0x400, s15;
	s11 =	simm.s32 $0x18100;
	[dreg:$0x1e] =	wrdreg s19  }
0x25: {  	s14 =	simm.s32 $0x18500;
	s15 =	simm.s32 $0x18D00;
	[dreg:$0x1f] =	wrdreg s20  }
0x26: {  	s17 =	simm.s32 $0x800;
	s18 =	simm.s32 $0x8000;
	[smem:$0x7F8] =	sst s21  }
0x27: {  	s4 =	simm.s32 $0x18080;
	s5 =	simm.s32 $0x80;
	[dreg:$0x17] =	wrdreg s12  }
0x28: {  	s10 =	simm.s32 $0x100;
	s0 =	sadd.s32 s13, s3;
	[smem:$0x7FA] =	sst s25  }
0x29: {  	s22 =	sadd.s32 $0x400, s12;
	[dreg:$0x1a] =	wrdreg s16;
	s26 =	sadd.s32 $0x400, s16  }
0x2a: {  	s28 =	sadd.s32 $0x400, s29;
	s12 =	simm.s32 $0x18900;
	[smem:$0x7F9] =	sst s22  }
0x2b: {  	s13 =	simm.s32 $0x5;
	s16 =	simm.s32 $0x400;
	[dreg:$0x19] =	wrdreg s0  }
0x2c: {  	s19 =	simm.s32 $0x10000;
	s20 =	simm.s32 $0x18000;
	[smem:$0x7FC] =	sst s26  }
0x2d: {  	s8 =	simm.s32 $0x4;
	s0 =	sadd.s32 $0x400, s0;
	[smem:$0x7FD] =	sst s28  }
0x2e: {  	v0 =	vimm.f32 $0.0e+00;
	s21 =	simm.s32 $0x0;
	[smem:$0x7FB] =	sst s0;
	s0 =	simm.s32 $0x14000  }
.LBB2_1:
0x2f: {  	s2 =	simm.s32 $0x0;
	s9 =	simm.s32 $0x0  }
0x30: {  	s25 =	simm.s32 $0x0;
	s2 =	sand.u32 $0x800, s2;
	s22 =	sand.u32 $0x400, s9  }
0x31: {  	s25 =	sand.u32 $0x380, s25;
	s2 =	sor.u32 s22, s2  }
0x32: {  	s28 =	sand.u32 $0x70, s9;
	s2 =	sor.u32 s2, s25  }
0x33: {  	s22 =	sor.u32 s28, s2  }
0x34: {  	s25 =	simm.s32 $0x0;
	s2 =	simm.s32 $0x1;
	[tilespmem:s22+$0x18100] =	vst v0;
	s22 =	simm.s32 $0x80  }
.LBB2_2:
0x35: {  	s26 =	sshll.u32 s2, $0x4;
	p0 =	sne.s32 s2, $0xFF  }
0x36: {  	s9 =	smov.u32 s2;
	s2 =	sadd.s32 $0x1, s2;
	s28 =	sand.u32 $0x400, s22  }
.Ltmp0:
0x37: {  	s26 =	sand.u32 $0x800, s26;
	s9 =	sshll.u32 s9, $0x3;
	(pc) =	sbr.rel @p0 .LBB2_2-.Ltmp0, $4  }
0x38: {  	s25 =	sadd.s32 $0x10, s25;
	s9 =	sand.u32 $0x380, s9;
	s26 =	sor.u32 s28, s26  }
0x39: {  	s28 =	sand.u32 $0x70, s25;
	s9 =	sor.u32 s26, s9  }
0x3a: {  	s9 =	sor.u32 s28, s9  }
0x3b: {  	s22 =	sadd.s32 $0x80, s22;
	[tilespmem:s9+$0x18100] =	vst v0  }
0x3c: {  	[spmem:s23] =	stream.linear.scatter [tilespmem:s11], [sflag:$0x5], $0x400, $0x38;
	[tilespmem:$0x1D100] =	vst v63  }
0x3d: {  	s2 =	rddreg [dreg:$0x1e]  }
0x3e: {  	[spmem:s2] =	stream.linear.scatter [tilespmem:s12], [sflag:$0x5], $0x400, $0x38;
	[tilespmem:$0x1D100] =	vst v63  }
0x3f: {  	_ =	swait.ge [sflag:s13], $0x800  }
0x40: {  	[sflag:s13] =	ssyncset.done $0x0  }
0x41: {  	[sflag:s13] =	ssyncadd.s32 $0xFFFFF800  }
0x42: {  	[spmem:s24] =	stream.linear.scatter [tilespmem:s14], [sflag:$0x5], $0x400, $0x38;
	[tilespmem:$0x1D100] =	vst v63  }
0x43: {  	s9 =	rddreg [dreg:$0x1f]  }
0x44: {  	[spmem:s9] =	stream.linear.scatter [tilespmem:s15], [sflag:$0x5], $0x400, $0x38;
	[tilespmem:$0x1D100] =	vst v63  }
0x45: {  	_ =	swait.ge [sflag:s13], $0x800  }
0x46: {  	[sflag:s13] =	ssyncset.done $0x0;
	s22 =	rddreg [dreg:$0x16]  }
0x47: {  	s25 =	sld [smem:$0x7F8];
	[sflag:s13] =	ssyncadd.s32 $0xFFFFF800  }
0x48: {  	[spmem:s22] =	stream.linear.scatter [tilespmem:s11], [sflag:$0x5], $0x400, $0x38;
	[tilespmem:$0x1D100] =	vst v63  }
0x49: {  	_ = 	snop  }
0x4a: {  	[spmem:s25] =	stream.linear.scatter [tilespmem:s12], [sflag:$0x5], $0x400, $0x38;
	[tilespmem:$0x1D100] =	vst v63  }
0x4b: {  	_ =	swait.ge [sflag:s13], $0x800  }
0x4c: {  	[sflag:s13] =	ssyncset.done $0x0;
	s26 =	rddreg [dreg:$0x17]  }
0x4d: {  	s28 =	sld [smem:$0x7F9];
	[sflag:s13] =	ssyncadd.s32 $0xFFFFF800  }
0x4e: {  	[spmem:s26] =	stream.linear.scatter [tilespmem:s14], [sflag:$0x5], $0x400, $0x38;
	[tilespmem:$0x1D100] =	vst v63  }
0x4f: {  	_ = 	snop  }
0x50: {  	[spmem:s28] =	stream.linear.scatter [tilespmem:s15], [sflag:$0x5], $0x400, $0x38;
	[tilespmem:$0x1D100] =	vst v63  }
0x51: {  	_ =	swait.ge [sflag:s13], $0x800  }
0x52: {  	[sflag:s13] =	ssyncset.done $0x0;
	s9 =	rddreg [dreg:$0x18]  }
0x53: {  	s22 =	sld [smem:$0x7FA];
	[sflag:s13] =	ssyncadd.s32 $0xFFFFF800  }
0x54: {  	[spmem:s9] =	stream.linear.scatter [tilespmem:s11], [sflag:$0x5], $0x400, $0x38;
	[tilespmem:$0x1D100] =	vst v63  }
0x55: {  	_ = 	snop  }
0x56: {  	[spmem:s22] =	stream.linear.scatter [tilespmem:s12], [sflag:$0x5], $0x400, $0x38;
	[tilespmem:$0x1D100] =	vst v63  }
0x57: {  	_ =	swait.ge [sflag:s13], $0x800  }
0x58: {  	[sflag:s13] =	ssyncset.done $0x0;
	s25 =	rddreg [dreg:$0x19]  }
0x59: {  	s26 =	sld [smem:$0x7FB];
	[sflag:s13] =	ssyncadd.s32 $0xFFFFF800  }
0x5a: {  	[spmem:s25] =	stream.linear.scatter [tilespmem:s14], [sflag:$0x5], $0x400, $0x38;
	[tilespmem:$0x1D100] =	vst v63  }
0x5b: {  	_ = 	snop  }
0x5c: {  	[spmem:s26] =	stream.linear.scatter [tilespmem:s15], [sflag:$0x5], $0x400, $0x38;
	[tilespmem:$0x1D100] =	vst v63  }
0x5d: {  	_ =	swait.ge [sflag:s13], $0x800  }
0x5e: {  	[sflag:s13] =	ssyncset.done $0x0;
	s28 =	rddreg [dreg:$0x1a]  }
0x5f: {  	s9 =	sld [smem:$0x7FC];
	[sflag:s13] =	ssyncadd.s32 $0xFFFFF800  }
0x60: {  	[spmem:s28] =	stream.linear.scatter [tilespmem:s11], [sflag:$0x5], $0x400, $0x38;
	[tilespmem:$0x1D100] =	vst v63  }
0x61: {  	_ = 	snop  }
0x62: {  	[spmem:s9] =	stream.linear.scatter [tilespmem:s12], [sflag:$0x5], $0x400, $0x38;
	[tilespmem:$0x1D100] =	vst v63  }
0x63: {  	_ =	swait.ge [sflag:s13], $0x800  }
0x64: {  	[sflag:s13] =	ssyncset.done $0x0  }
0x65: {  	s22 =	sld [smem:$0x7FD];
	[sflag:s13] =	ssyncadd.s32 $0xFFFFF800  }
0x66: {  	[spmem:s29] =	stream.linear.scatter [tilespmem:s14], [sflag:$0x5], $0x400, $0x38;
	[tilespmem:$0x1D100] =	vst v63  }
0x67: {  	_ = 	snop  }
0x68: {  	[spmem:s22] =	stream.linear.scatter [tilespmem:s15], [sflag:$0x5], $0x400, $0x38;
	[tilespmem:$0x1D100] =	vst v63  }
0x69: {  	_ =	swait.ge [sflag:s13], $0x800  }
0x6a: {  	[sflag:s13] =	ssyncset.done $0x0  }
0x6b: {  	[sflag:s13] =	ssyncadd.s32 $0xFFFFF800  }
0x6c: {  	[bflag:$0x0] =	sbarrier.arrive $0xFFFF  }
0x6d: {  	s25 =	rddreg [dreg:$0x6]  }
0x6e: {  	[tilespmem:s18], [sflag:$0x1] =	stream.strided.gather [hbm4b:s25+s16], $0x4000, s17, s16, $0x38;
	[tilespmem:$0x1D100] =	vst v63  }
0x6f: {  	s26 =	rddreg [dreg:$0x7]  }
0x70: {  	[tilespmem:s19], [sflag:$0x1] =	stream.strided.gather [hbm4b:s26+s16], $0x4000, s17, s16, $0x38;
	[tilespmem:$0x1D100] =	vst v63  }
0x71: {  	s2 =	simm.s32 $0x0;
	s9 =	rddreg [dreg:$0x8]  }
0x72: {  	[tilespmem:s2], [sflag:$0x1] =	stream.linear.gather [hbm4b:s9+s2], $0x4000, $0x38;
	[tilespmem:$0x1D100] =	vst v63  }
0x73: {  	s28 =	rddreg [dreg:$0x12]  }
0x74: {  	[tilespmem:s20], [sflag:$0x1] =	stream.linear.gather [hbm4b:s28+s2], $0x80, $0x38;
	[tilespmem:$0x1D100] =	vst v63  }
0x75: {  	_ =	swait.ge [sflag:s30], $0x4000  }
0x76: {  	[sflag:s30] =	ssyncset.done $0x0  }
0x77: {  	[sflag:s30] =	ssyncadd.s32 $0xFFFFC000  }
0x78: {  	_ =	swait.ge [sflag:s30], $0x4000  }
0x79: {  	[sflag:s30] =	ssyncset.done $0x0  }
0x7a: {  	[sflag:s30] =	ssyncadd.s32 $0xFFFFC000  }
0x7b: {  	_ =	swait.ge [sflag:s30], $0x4000  }
0x7c: {  	[sflag:s30] =	ssyncset.done $0x0  }
0x7d: {  	[sflag:s30] =	ssyncadd.s32 $0xFFFFC000  }
0x7e: {  	_ =	swait.ge [sflag:s30], $0x80  }
0x7f: {  	[sflag:s30] =	ssyncset.done $0x0  }
0x80: {  	s22 =	rddreg [dreg:$0x9];
	[sflag:s30] =	ssyncadd.s32 $0xFFFFFF80  }
0x81: {  	[tilespmem:s31], [sflag:$0x2] =	stream.strided.gather [hbm4b:s22+s16], $0x4000, s17, s16, $0x38;
	[tilespmem:$0x1D100] =	vst v63  }
0x82: {  	s25 =	rddreg [dreg:$0xa]  }
0x83: {  	[tilespmem:s0], [sflag:$0x2] =	stream.strided.gather [hbm4b:s25+s16], $0x4000, s17, s16, $0x38;
	[tilespmem:$0x1D100] =	vst v63  }
0x84: {  	s26 =	rddreg [dreg:$0xf];
	s25 =	simm.s32 $0x4000  }
0x85: {  	[tilespmem:s25], [sflag:$0x2] =	stream.linear.gather [hbm4b:s26+s2], $0x4000, $0x38;
	[tilespmem:$0x1D100] =	vst v63  }
0x86: {  	s28 =	rddreg [dreg:$0x13]  }
0x87: {  	[tilespmem:s4], [sflag:$0x2] =	stream.linear.gather [hbm4b:s28+s2], $0x80, $0x38;
	[tilespmem:$0x1D100] =	vst v63  }
0x88: {  	s2 =	simm.s32 $0x0  }
0x89: {  	v1 =	vld [tilespmem:s2+$0x0]  }
0x8a: {  	v2 =	vld [tilespmem:s2+$0x8000]  }
0x8b: {  	v3 =	vld [tilespmem:s2+$0x10000]  }
0x8c: {  	v4 =	vld [tilespmem:s2+$0x8010]  }
0x8d: {  	v5 =	vld [tilespmem:s2+$0x10010]  }
0x8e: {  	v6 =	vld [tilespmem:s2+$0x8020]  }
0x8f: {  	v7 =	vld [tilespmem:s2+$0x10020];
	v2 =	vmul.f32 v2, v1  }
0x90: {  	v8 =	vld [tilespmem:s2+$0x8030];
	v3 =	vmul.f32 v3, v1  }
0x91: {  	v9 =	vld [tilespmem:s2+$0x10030];
	[tilespmem:s2+$0x8000] =	vst v2;
	v2 =	vmul.f32 v4, v1  }
0x92: {  	v10 =	vld [tilespmem:s2+$0x8040];
	[tilespmem:s2+$0x10000] =	vst v3;
	v3 =	vmul.f32 v5, v1  }
0x93: {  	v11 =	vld [tilespmem:s2+$0x10040];
	[tilespmem:s2+$0x8010] =	vst v2;
	v2 =	vmul.f32 v6, v1  }
0x94: {  	v4 =	vmul.f32 v7, v1;
	[tilespmem:s2+$0x10010] =	vst v3;
	v3 =	vld [tilespmem:s2+$0x8050]  }
0x95: {  	v5 =	vmul.f32 v8, v1;
	[tilespmem:s2+$0x8020] =	vst v2;
	v2 =	vld [tilespmem:s2+$0x10050]  }
0x96: {  	[tilespmem:s2+$0x10020] =	vst v4;
	v4 =	vld [tilespmem:s2+$0x8060];
	v6 =	vmul.f32 v9, v1  }
0x97: {  	v8 =	vmul.f32 v10, v1;
	[tilespmem:s2+$0x8030] =	vst v5;
	v5 =	vld [tilespmem:s2+$0x10060]  }
0x98: {  	s22 =	simm.s32 $0x200;
	v7 =	vmul.f32 v11, v1;
	[tilespmem:s2+$0x10030] =	vst v6;
	v6 =	vld [tilespmem:s2+$0x8070]  }
.LBB2_4:
0x99: {  	s9 =	sshra.s32 s22, $0x2;
	p0 =	sne.s32 s22, $0xFE00;
	[tilespmem:s2+$0x8040] =	vst v8;
	v3 =	vmul.f32 v3, v1;
	v8 =	vld [tilespmem:s2+$0x10070]  }
0x9a: {  	v9 =	vld [tilespmem:s9+$0x0];
	[tilespmem:s2+$0x10040] =	vst v7;
	v2 =	vmul.f32 v2, v1  }
0x9b: {  	v7 =	vld [tilespmem:s9+$0x8000];
	[tilespmem:s2+$0x8050] =	vst v3;
	v3 =	vmul.f32 v4, v1  }
0x9c: {  	v4 =	vld [tilespmem:s9+$0x10000];
	[tilespmem:s2+$0x10050] =	vst v2;
	v2 =	vmul.f32 v5, v1  }
0x9d: {  	v5 =	vld [tilespmem:s9+$0x8010];
	[tilespmem:s2+$0x8060] =	vst v3;
	v3 =	vmul.f32 v6, v1  }
0x9e: {  	v6 =	vld [tilespmem:s9+$0x10010];
	[tilespmem:s2+$0x10060] =	vst v2;
	v2 =	vmul.f32 v8, v1  }
0x9f: {  	v8 =	vld [tilespmem:s9+$0x8020];
	[tilespmem:s2+$0x8070] =	vst v3;
	v1 =	vmov v9  }
0xa0: {  	v3 =	vmul.f32 v7, v1;
	v7 =	vld [tilespmem:s9+$0x10020];
	[tilespmem:s2+$0x10070] =	vst v2;
	s2 =	smov.u32 s9  }
0xa1: {  	v2 =	vmul.f32 v4, v1;
	v4 =	vld [tilespmem:s2+$0x8030]  }
0xa2: {  	[tilespmem:s2+$0x8000] =	vst v3;
	v3 =	vmul.f32 v5, v1;
	v5 =	vld [tilespmem:s2+$0x10030]  }
0xa3: {  	[tilespmem:s2+$0x10000] =	vst v2;
	v2 =	vmul.f32 v6, v1;
	v6 =	vld [tilespmem:s2+$0x8040]  }
0xa4: {  	[tilespmem:s2+$0x8010] =	vst v3;
	v8 =	vmul.f32 v8, v1;
	v9 =	vld [tilespmem:s2+$0x10040]  }
.Ltmp1:
0xa5: {  	[tilespmem:s2+$0x10010] =	vst v2;
	v7 =	vmul.f32 v7, v1;
	v3 =	vld [tilespmem:s2+$0x8050];
	(pc) =	sbr.rel @p0 .LBB2_4-.Ltmp1, $4  }
0xa6: {  	[tilespmem:s2+$0x8020] =	vst v8;
	v8 =	vmul.f32 v4, v1;
	v2 =	vld [tilespmem:s2+$0x10050]  }
0xa7: {  	[tilespmem:s2+$0x10020] =	vst v7;
	v7 =	vmul.f32 v5, v1;
	v4 =	vld [tilespmem:s2+$0x8060]  }
0xa8: {  	[tilespmem:s2+$0x8030] =	vst v8;
	v8 =	vmul.f32 v6, v1;
	v5 =	vld [tilespmem:s2+$0x10060]  }
0xa9: {  	s22 =	sadd.s32 $0x200, s22;
	[tilespmem:s2+$0x10030] =	vst v7;
	v7 =	vmul.f32 v9, v1;
	v6 =	vld [tilespmem:s2+$0x8070]  }
0xaa: {  	[tilespmem:s2+$0x8040] =	vst v8;
	v3 =	vmul.f32 v3, v1;
	v8 =	vld [tilespmem:s2+$0x10070]  }
0xab: {  	[tilespmem:s2+$0x10040] =	vst v7;
	v2 =	vmul.f32 v2, v1  }
0xac: {  	[tilespmem:s2+$0x8050] =	vst v3;
	v3 =	vmul.f32 v4, v1  }
0xad: {  	[tilespmem:s2+$0x10050] =	vst v2;
	v2 =	vmul.f32 v5, v1  }
0xae: {  	[tilespmem:s2+$0x8060] =	vst v3;
	v3 =	vmul.f32 v6, v1  }
0xaf: {  	[tilespmem:s2+$0x10060] =	vst v2;
	v1 =	vmul.f32 v8, v1  }
0xb0: {  	[tilespmem:s2+$0x8070] =	vst v3  }
0xb1: {  	[tilespmem:s2+$0x10070] =	vst v1  }
0xb2: {  	[spmem:s1] =	stream.indirect.scatter.add.f32 [tilespmem:s18], [sflag:$0x3], $0x80, s20, s5, $0xb8;
	[tilespmem:$0x1D100] =	vst v63  }
0xb3: {  	_ = 	snop  }
0xb4: {  	[spmem:s3] =	stream.indirect.scatter.add.f32 [tilespmem:s19], [sflag:$0x3], $0x80, s20, s5, $0xb8;
	[tilespmem:$0x1D100] =	vst v63  }
0xb5: {  	_ =	swait.ge [sflag:s6], $0x4000  }
0xb6: {  	[sflag:s6] =	ssyncset.done $0x0  }
0xb7: {  	[sflag:s6] =	ssyncadd.s32 $0xFFFFC000  }
0xb8: {  	_ =	swait.ge [sflag:s6], $0x4000  }
0xb9: {  	[sflag:s6] =	ssyncset.done $0x0  }
0xba: {  	[sflag:s6] =	ssyncadd.s32 $0xFFFFC000  }
0xbb: {  	_ =	swait.ge [sflag:s6], $0x4000  }
0xbc: {  	[sflag:s6] =	ssyncset.done $0x0  }
0xbd: {  	[sflag:s6] =	ssyncadd.s32 $0xFFFFC000  }
0xbe: {  	_ =	swait.ge [sflag:s6], $0x80  }
0xbf: {  	[sflag:s6] =	ssyncset.done $0x0  }
0xc0: {  	[sflag:s6] =	ssyncadd.s32 $0xFFFFFF80  }
0xc1: {  	_ =	swait.ge [sflag:s7], $0x4000  }
0xc2: {  	[sflag:s7] =	ssyncset.done $0x0  }
0xc3: {  	[sflag:s7] =	ssyncadd.s32 $0xFFFFC000  }
0xc4: {  	_ =	swait.ge [sflag:s7], $0x4000  }
0xc5: {  	[sflag:s7] =	ssyncset.done $0x0  }
0xc6: {  	s9 =	rddreg [dreg:$0xb];
	[sflag:s7] =	ssyncadd.s32 $0xFFFFC000  }
0xc7: {  	[tilespmem:s18], [sflag:$0x1] =	stream.strided.gather [hbm4b:s9+s16], $0x4000, s17, s16, $0x38;
	[tilespmem:$0x1D100] =	vst v63  }
0xc8: {  	s22 =	rddreg [dreg:$0xc]  }
0xc9: {  	[tilespmem:s19], [sflag:$0x1] =	stream.strided.gather [hbm4b:s22+s16], $0x4000, s17, s16, $0x38;
	[tilespmem:$0x1D100] =	vst v63  }
0xca: {  	s26 =	simm.s32 $0x0;
	s9 =	rddreg [dreg:$0x10]  }
0xcb: {  	[tilespmem:s26], [sflag:$0x1] =	stream.linear.gather [hbm4b:s9+s26], $0x4000, $0x38;
	[tilespmem:$0x1D100] =	vst v63  }
0xcc: {  	s2 =	simm.s32 $0x0;
	s28 =	rddreg [dreg:$0x14]  }
0xcd: {  	[tilespmem:s20], [sflag:$0x1] =	stream.linear.gather [hbm4b:s28+s26], $0x80, $0x38;
	[tilespmem:$0x1D100] =	vst v63  }
0xce: {  	v1 =	vld [tilespmem:s2+$0x4000]  }
0xcf: {  	v2 =	vld [tilespmem:s2+$0xC000]  }
0xd0: {  	v3 =	vld [tilespmem:s2+$0x14000]  }
0xd1: {  	v4 =	vld [tilespmem:s2+$0xC010]  }
0xd2: {  	v5 =	vld [tilespmem:s2+$0x14010]  }
0xd3: {  	v6 =	vld [tilespmem:s2+$0xC020]  }
0xd4: {  	v7 =	vld [tilespmem:s2+$0x14020];
	v2 =	vmul.f32 v2, v1  }
0xd5: {  	v8 =	vld [tilespmem:s2+$0xC030];
	v3 =	vmul.f32 v3, v1  }
0xd6: {  	v9 =	vld [tilespmem:s2+$0x14030];
	[tilespmem:s2+$0xC000] =	vst v2;
	v2 =	vmul.f32 v4, v1  }
0xd7: {  	v10 =	vld [tilespmem:s2+$0xC040];
	[tilespmem:s2+$0x14000] =	vst v3;
	v3 =	vmul.f32 v5, v1  }
0xd8: {  	v11 =	vld [tilespmem:s2+$0x14040];
	[tilespmem:s2+$0xC010] =	vst v2;
	v2 =	vmul.f32 v6, v1  }
0xd9: {  	v4 =	vmul.f32 v7, v1;
	[tilespmem:s2+$0x14010] =	vst v3;
	v3 =	vld [tilespmem:s2+$0xC050]  }
0xda: {  	v5 =	vmul.f32 v8, v1;
	[tilespmem:s2+$0xC020] =	vst v2;
	v2 =	vld [tilespmem:s2+$0x14050]  }
0xdb: {  	[tilespmem:s2+$0x14020] =	vst v4;
	v4 =	vld [tilespmem:s2+$0xC060];
	v6 =	vmul.f32 v9, v1  }
0xdc: {  	v8 =	vmul.f32 v10, v1;
	[tilespmem:s2+$0xC030] =	vst v5;
	v5 =	vld [tilespmem:s2+$0x14060]  }
0xdd: {  	s22 =	simm.s32 $0x200;
	v7 =	vmul.f32 v11, v1;
	[tilespmem:s2+$0x14030] =	vst v6;
	v6 =	vld [tilespmem:s2+$0xC070]  }
.LBB2_6:
0xde: {  	s9 =	sshra.s32 s22, $0x2;
	p0 =	sne.s32 s22, $0xFE00;
	[tilespmem:s2+$0xC040] =	vst v8;
	v3 =	vmul.f32 v3, v1;
	v8 =	vld [tilespmem:s2+$0x14070]  }
0xdf: {  	v9 =	vld [tilespmem:s9+$0x4000];
	[tilespmem:s2+$0x14040] =	vst v7;
	v2 =	vmul.f32 v2, v1  }
0xe0: {  	v7 =	vld [tilespmem:s9+$0xC000];
	[tilespmem:s2+$0xC050] =	vst v3;
	v3 =	vmul.f32 v4, v1  }
0xe1: {  	v4 =	vld [tilespmem:s9+$0x14000];
	[tilespmem:s2+$0x14050] =	vst v2;
	v2 =	vmul.f32 v5, v1  }
0xe2: {  	v5 =	vld [tilespmem:s9+$0xC010];
	[tilespmem:s2+$0xC060] =	vst v3;
	v3 =	vmul.f32 v6, v1  }
0xe3: {  	v6 =	vld [tilespmem:s9+$0x14010];
	[tilespmem:s2+$0x14060] =	vst v2;
	v2 =	vmul.f32 v8, v1  }
0xe4: {  	v8 =	vld [tilespmem:s9+$0xC020];
	[tilespmem:s2+$0xC070] =	vst v3;
	v1 =	vmov v9  }
0xe5: {  	v3 =	vmul.f32 v7, v1;
	v7 =	vld [tilespmem:s9+$0x14020];
	[tilespmem:s2+$0x14070] =	vst v2;
	s2 =	smov.u32 s9  }
0xe6: {  	v2 =	vmul.f32 v4, v1;
	v4 =	vld [tilespmem:s2+$0xC030]  }
0xe7: {  	[tilespmem:s2+$0xC000] =	vst v3;
	v3 =	vmul.f32 v5, v1;
	v5 =	vld [tilespmem:s2+$0x14030]  }
0xe8: {  	[tilespmem:s2+$0x14000] =	vst v2;
	v2 =	vmul.f32 v6, v1;
	v6 =	vld [tilespmem:s2+$0xC040]  }
0xe9: {  	[tilespmem:s2+$0xC010] =	vst v3;
	v8 =	vmul.f32 v8, v1;
	v9 =	vld [tilespmem:s2+$0x14040]  }
.Ltmp2:
0xea: {  	[tilespmem:s2+$0x14010] =	vst v2;
	v7 =	vmul.f32 v7, v1;
	v3 =	vld [tilespmem:s2+$0xC050];
	(pc) =	sbr.rel @p0 .LBB2_6-.Ltmp2, $4  }
0xeb: {  	[tilespmem:s2+$0xC020] =	vst v8;
	v8 =	vmul.f32 v4, v1;
	v2 =	vld [tilespmem:s2+$0x14050]  }
0xec: {  	[tilespmem:s2+$0x14020] =	vst v7;
	v7 =	vmul.f32 v5, v1;
	v4 =	vld [tilespmem:s2+$0xC060]  }
0xed: {  	[tilespmem:s2+$0xC030] =	vst v8;
	v8 =	vmul.f32 v6, v1;
	v5 =	vld [tilespmem:s2+$0x14060]  }
0xee: {  	s22 =	sadd.s32 $0x200, s22;
	[tilespmem:s2+$0x14030] =	vst v7;
	v7 =	vmul.f32 v9, v1;
	v6 =	vld [tilespmem:s2+$0xC070]  }
0xef: {  	[tilespmem:s2+$0xC040] =	vst v8;
	v3 =	vmul.f32 v3, v1;
	v8 =	vld [tilespmem:s2+$0x14070]  }
0xf0: {  	[tilespmem:s2+$0x14040] =	vst v7;
	v2 =	vmul.f32 v2, v1  }
0xf1: {  	[tilespmem:s2+$0xC050] =	vst v3;
	v3 =	vmul.f32 v4, v1  }
0xf2: {  	[tilespmem:s2+$0x14050] =	vst v2;
	v2 =	vmul.f32 v5, v1  }
0xf3: {  	[tilespmem:s2+$0xC060] =	vst v3;
	v3 =	vmul.f32 v6, v1  }
0xf4: {  	[tilespmem:s2+$0x14060] =	vst v2;
	v1 =	vmul.f32 v8, v1  }
0xf5: {  	[tilespmem:s2+$0xC070] =	vst v3  }
0xf6: {  	[tilespmem:s2+$0x14070] =	vst v1  }
0xf7: {  	[spmem:s1] =	stream.indirect.scatter.add.f32 [tilespmem:s31], [sflag:$0x4], $0x80, s4, s5, $0xb8;
	[tilespmem:$0x1D100] =	vst v63  }
0xf8: {  	_ = 	snop  }
0xf9: {  	[spmem:s3] =	stream.indirect.scatter.add.f32 [tilespmem:s0], [sflag:$0x4], $0x80, s4, s5, $0xb8;
	[tilespmem:$0x1D100] =	vst v63  }
0xfa: {  	_ =	swait.ge [sflag:s30], $0x4000  }
0xfb: {  	[sflag:s30] =	ssyncset.done $0x0  }
0xfc: {  	[sflag:s30] =	ssyncadd.s32 $0xFFFFC000  }
0xfd: {  	_ =	swait.ge [sflag:s30], $0x4000  }
0xfe: {  	[sflag:s30] =	ssyncset.done $0x0  }
0xff: {  	[sflag:s30] =	ssyncadd.s32 $0xFFFFC000  }
0x100: {  	_ =	swait.ge [sflag:s30], $0x4000  }
0x101: {  	[sflag:s30] =	ssyncset.done $0x0  }
0x102: {  	[sflag:s30] =	ssyncadd.s32 $0xFFFFC000  }
0x103: {  	_ =	swait.ge [sflag:s30], $0x80  }
0x104: {  	[sflag:s30] =	ssyncset.done $0x0  }
0x105: {  	[sflag:s30] =	ssyncadd.s32 $0xFFFFFF80  }
0x106: {  	_ =	swait.ge [sflag:s8], $0x4000  }
0x107: {  	[sflag:s8] =	ssyncset.done $0x0  }
0x108: {  	[sflag:s8] =	ssyncadd.s32 $0xFFFFC000  }
0x109: {  	_ =	swait.ge [sflag:s8], $0x4000  }
0x10a: {  	[sflag:s8] =	ssyncset.done $0x0  }
0x10b: {  	s9 =	rddreg [dreg:$0xd];
	[sflag:s8] =	ssyncadd.s32 $0xFFFFC000  }
0x10c: {  	[tilespmem:s31], [sflag:$0x2] =	stream.strided.gather [hbm4b:s9+s16], $0x4000, s17, s16, $0x38;
	[tilespmem:$0x1D100] =	vst v63  }
0x10d: {  	s22 =	rddreg [dreg:$0xe]  }
0x10e: {  	[tilespmem:s0], [sflag:$0x2] =	stream.strided.gather [hbm4b:s22+s16], $0x4000, s17, s16, $0x38;
	[tilespmem:$0x1D100] =	vst v63  }
0x10f: {  	s26 =	simm.s32 $0x0;
	s9 =	rddreg [dreg:$0x11]  }
0x110: {  	[tilespmem:s25], [sflag:$0x2] =	stream.linear.gather [hbm4b:s9+s26], $0x4000, $0x38;
	[tilespmem:$0x1D100] =	vst v63  }
0x111: {  	s2 =	simm.s32 $0x0;
	s28 =	rddreg [dreg:$0x15]  }
0x112: {  	[tilespmem:s4], [sflag:$0x2] =	stream.linear.gather [hbm4b:s28+s26], $0x80, $0x38;
	[tilespmem:$0x1D100] =	vst v63  }
0x113: {  	v1 =	vld [tilespmem:s2+$0x0]  }
0x114: {  	v2 =	vld [tilespmem:s2+$0x8000]  }
0x115: {  	v3 =	vld [tilespmem:s2+$0x10000]  }
0x116: {  	v4 =	vld [tilespmem:s2+$0x8010]  }
0x117: {  	v5 =	vld [tilespmem:s2+$0x10010]  }
0x118: {  	v6 =	vld [tilespmem:s2+$0x8020]  }
0x119: {  	v7 =	vld [tilespmem:s2+$0x10020];
	v2 =	vmul.f32 v2, v1  }
0x11a: {  	v8 =	vld [tilespmem:s2+$0x8030];
	v3 =	vmul.f32 v3, v1  }
0x11b: {  	v9 =	vld [tilespmem:s2+$0x10030];
	[tilespmem:s2+$0x8000] =	vst v2;
	v2 =	vmul.f32 v4, v1  }
0x11c: {  	v10 =	vld [tilespmem:s2+$0x8040];
	[tilespmem:s2+$0x10000] =	vst v3;
	v3 =	vmul.f32 v5, v1  }
0x11d: {  	v11 =	vld [tilespmem:s2+$0x10040];
	[tilespmem:s2+$0x8010] =	vst v2;
	v2 =	vmul.f32 v6, v1  }
0x11e: {  	v4 =	vmul.f32 v7, v1;
	[tilespmem:s2+$0x10010] =	vst v3;
	v3 =	vld [tilespmem:s2+$0x8050]  }
0x11f: {  	v5 =	vmul.f32 v8, v1;
	[tilespmem:s2+$0x8020] =	vst v2;
	v2 =	vld [tilespmem:s2+$0x10050]  }
0x120: {  	[tilespmem:s2+$0x10020] =	vst v4;
	v4 =	vld [tilespmem:s2+$0x8060];
	v6 =	vmul.f32 v9, v1  }
0x121: {  	v8 =	vmul.f32 v10, v1;
	[tilespmem:s2+$0x8030] =	vst v5;
	v5 =	vld [tilespmem:s2+$0x10060]  }
0x122: {  	s22 =	simm.s32 $0x200;
	v7 =	vmul.f32 v11, v1;
	[tilespmem:s2+$0x10030] =	vst v6;
	v6 =	vld [tilespmem:s2+$0x8070]  }
.LBB2_8:
0x123: {  	s9 =	sshra.s32 s22, $0x2;
	p0 =	sne.s32 s22, $0xFE00;
	[tilespmem:s2+$0x8040] =	vst v8;
	v3 =	vmul.f32 v3, v1;
	v8 =	vld [tilespmem:s2+$0x10070]  }
0x124: {  	v9 =	vld [tilespmem:s9+$0x0];
	[tilespmem:s2+$0x10040] =	vst v7;
	v2 =	vmul.f32 v2, v1  }
0x125: {  	v7 =	vld [tilespmem:s9+$0x8000];
	[tilespmem:s2+$0x8050] =	vst v3;
	v3 =	vmul.f32 v4, v1  }
0x126: {  	v4 =	vld [tilespmem:s9+$0x10000];
	[tilespmem:s2+$0x10050] =	vst v2;
	v2 =	vmul.f32 v5, v1  }
0x127: {  	v5 =	vld [tilespmem:s9+$0x8010];
	[tilespmem:s2+$0x8060] =	vst v3;
	v3 =	vmul.f32 v6, v1  }
0x128: {  	v6 =	vld [tilespmem:s9+$0x10010];
	[tilespmem:s2+$0x10060] =	vst v2;
	v2 =	vmul.f32 v8, v1  }
0x129: {  	v8 =	vld [tilespmem:s9+$0x8020];
	[tilespmem:s2+$0x8070] =	vst v3;
	v1 =	vmov v9  }
0x12a: {  	v3 =	vmul.f32 v7, v1;
	v7 =	vld [tilespmem:s9+$0x10020];
	[tilespmem:s2+$0x10070] =	vst v2;
	s2 =	smov.u32 s9  }
0x12b: {  	v2 =	vmul.f32 v4, v1;
	v4 =	vld [tilespmem:s2+$0x8030]  }
0x12c: {  	[tilespmem:s2+$0x8000] =	vst v3;
	v3 =	vmul.f32 v5, v1;
	v5 =	vld [tilespmem:s2+$0x10030]  }
0x12d: {  	[tilespmem:s2+$0x10000] =	vst v2;
	v2 =	vmul.f32 v6, v1;
	v6 =	vld [tilespmem:s2+$0x8040]  }
0x12e: {  	[tilespmem:s2+$0x8010] =	vst v3;
	v8 =	vmul.f32 v8, v1;
	v9 =	vld [tilespmem:s2+$0x10040]  }
.Ltmp3:
0x12f: {  	[tilespmem:s2+$0x10010] =	vst v2;
	v7 =	vmul.f32 v7, v1;
	v3 =	vld [tilespmem:s2+$0x8050];
	(pc) =	sbr.rel @p0 .LBB2_8-.Ltmp3, $4  }
0x130: {  	[tilespmem:s2+$0x8020] =	vst v8;
	v8 =	vmul.f32 v4, v1;
	v2 =	vld [tilespmem:s2+$0x10050]  }
0x131: {  	[tilespmem:s2+$0x10020] =	vst v7;
	v7 =	vmul.f32 v5, v1;
	v4 =	vld [tilespmem:s2+$0x8060]  }
0x132: {  	[tilespmem:s2+$0x8030] =	vst v8;
	v8 =	vmul.f32 v6, v1;
	v5 =	vld [tilespmem:s2+$0x10060]  }
0x133: {  	s22 =	sadd.s32 $0x200, s22;
	[tilespmem:s2+$0x10030] =	vst v7;
	v7 =	vmul.f32 v9, v1;
	v6 =	vld [tilespmem:s2+$0x8070]  }
0x134: {  	[tilespmem:s2+$0x8040] =	vst v8;
	v3 =	vmul.f32 v3, v1;
	v8 =	vld [tilespmem:s2+$0x10070]  }
0x135: {  	[tilespmem:s2+$0x10040] =	vst v7;
	v2 =	vmul.f32 v2, v1  }
0x136: {  	[tilespmem:s2+$0x8050] =	vst v3;
	v3 =	vmul.f32 v4, v1  }
0x137: {  	[tilespmem:s2+$0x10050] =	vst v2;
	v2 =	vmul.f32 v5, v1  }
0x138: {  	[tilespmem:s2+$0x8060] =	vst v3;
	v3 =	vmul.f32 v6, v1  }
0x139: {  	[tilespmem:s2+$0x10060] =	vst v2;
	v1 =	vmul.f32 v8, v1  }
0x13a: {  	[tilespmem:s2+$0x8070] =	vst v3  }
0x13b: {  	[tilespmem:s2+$0x10070] =	vst v1  }
0x13c: {  	[spmem:s1] =	stream.indirect.scatter.add.f32 [tilespmem:s18], [sflag:$0x3], $0x80, s20, s5, $0xb8;
	[tilespmem:$0x1D100] =	vst v63  }
0x13d: {  	_ = 	snop  }
0x13e: {  	[spmem:s3] =	stream.indirect.scatter.add.f32 [tilespmem:s19], [sflag:$0x3], $0x80, s20, s5, $0xb8;
	[tilespmem:$0x1D100] =	vst v63  }
0x13f: {  	_ =	swait.ge [sflag:s6], $0x4000  }
0x140: {  	[sflag:s6] =	ssyncset.done $0x0  }
0x141: {  	[sflag:s6] =	ssyncadd.s32 $0xFFFFC000  }
0x142: {  	_ =	swait.ge [sflag:s6], $0x4000  }
0x143: {  	[sflag:s6] =	ssyncset.done $0x0  }
0x144: {  	[sflag:s6] =	ssyncadd.s32 $0xFFFFC000  }
0x145: {  	_ =	swait.ge [sflag:s6], $0x4000  }
0x146: {  	[sflag:s6] =	ssyncset.done $0x0  }
0x147: {  	[sflag:s6] =	ssyncadd.s32 $0xFFFFC000  }
0x148: {  	_ =	swait.ge [sflag:s6], $0x80  }
0x149: {  	[sflag:s6] =	ssyncset.done $0x0  }
0x14a: {  	s2 =	simm.s32 $0x0;
	[sflag:s6] =	ssyncadd.s32 $0xFFFFFF80  }
0x14b: {  	v1 =	vld [tilespmem:s2+$0x4000]  }
0x14c: {  	v2 =	vld [tilespmem:s2+$0xC000]  }
0x14d: {  	v3 =	vld [tilespmem:s2+$0x14000]  }
0x14e: {  	v4 =	vld [tilespmem:s2+$0xC010]  }
0x14f: {  	v5 =	vld [tilespmem:s2+$0x14010]  }
0x150: {  	v6 =	vld [tilespmem:s2+$0xC020]  }
0x151: {  	v7 =	vld [tilespmem:s2+$0x14020];
	v2 =	vmul.f32 v2, v1  }
0x152: {  	v8 =	vld [tilespmem:s2+$0xC030];
	v3 =	vmul.f32 v3, v1  }
0x153: {  	v9 =	vld [tilespmem:s2+$0x14030];
	[tilespmem:s2+$0xC000] =	vst v2;
	v2 =	vmul.f32 v4, v1  }
0x154: {  	v10 =	vld [tilespmem:s2+$0xC040];
	[tilespmem:s2+$0x14000] =	vst v3;
	v3 =	vmul.f32 v5, v1  }
0x155: {  	v11 =	vld [tilespmem:s2+$0x14040];
	[tilespmem:s2+$0xC010] =	vst v2;
	v2 =	vmul.f32 v6, v1  }
0x156: {  	v4 =	vmul.f32 v7, v1;
	[tilespmem:s2+$0x14010] =	vst v3;
	v3 =	vld [tilespmem:s2+$0xC050]  }
0x157: {  	v5 =	vmul.f32 v8, v1;
	[tilespmem:s2+$0xC020] =	vst v2;
	v2 =	vld [tilespmem:s2+$0x14050]  }
0x158: {  	[tilespmem:s2+$0x14020] =	vst v4;
	v4 =	vld [tilespmem:s2+$0xC060];
	v6 =	vmul.f32 v9, v1  }
0x159: {  	v8 =	vmul.f32 v10, v1;
	[tilespmem:s2+$0xC030] =	vst v5;
	v5 =	vld [tilespmem:s2+$0x14060]  }
0x15a: {  	s22 =	simm.s32 $0x200;
	v7 =	vmul.f32 v11, v1;
	[tilespmem:s2+$0x14030] =	vst v6;
	v6 =	vld [tilespmem:s2+$0xC070]  }
.LBB2_10:
0x15b: {  	s9 =	sshra.s32 s22, $0x2;
	p0 =	sne.s32 s22, $0xFE00;
	[tilespmem:s2+$0xC040] =	vst v8;
	v3 =	vmul.f32 v3, v1;
	v8 =	vld [tilespmem:s2+$0x14070]  }
0x15c: {  	v9 =	vld [tilespmem:s9+$0x4000];
	[tilespmem:s2+$0x14040] =	vst v7;
	v2 =	vmul.f32 v2, v1  }
0x15d: {  	v7 =	vld [tilespmem:s9+$0xC000];
	[tilespmem:s2+$0xC050] =	vst v3;
	v3 =	vmul.f32 v4, v1  }
0x15e: {  	v4 =	vld [tilespmem:s9+$0x14000];
	[tilespmem:s2+$0x14050] =	vst v2;
	v2 =	vmul.f32 v5, v1  }
0x15f: {  	v5 =	vld [tilespmem:s9+$0xC010];
	[tilespmem:s2+$0xC060] =	vst v3;
	v3 =	vmul.f32 v6, v1  }
0x160: {  	v6 =	vld [tilespmem:s9+$0x14010];
	[tilespmem:s2+$0x14060] =	vst v2;
	v2 =	vmul.f32 v8, v1  }
0x161: {  	v8 =	vld [tilespmem:s9+$0xC020];
	[tilespmem:s2+$0xC070] =	vst v3;
	v1 =	vmov v9  }
0x162: {  	v3 =	vmul.f32 v7, v1;
	v7 =	vld [tilespmem:s9+$0x14020];
	[tilespmem:s2+$0x14070] =	vst v2;
	s2 =	smov.u32 s9  }
0x163: {  	v2 =	vmul.f32 v4, v1;
	v4 =	vld [tilespmem:s2+$0xC030]  }
0x164: {  	[tilespmem:s2+$0xC000] =	vst v3;
	v3 =	vmul.f32 v5, v1;
	v5 =	vld [tilespmem:s2+$0x14030]  }
0x165: {  	[tilespmem:s2+$0x14000] =	vst v2;
	v2 =	vmul.f32 v6, v1;
	v6 =	vld [tilespmem:s2+$0xC040]  }
0x166: {  	[tilespmem:s2+$0xC010] =	vst v3;
	v8 =	vmul.f32 v8, v1;
	v9 =	vld [tilespmem:s2+$0x14040]  }
.Ltmp4:
0x167: {  	[tilespmem:s2+$0x14010] =	vst v2;
	v7 =	vmul.f32 v7, v1;
	v3 =	vld [tilespmem:s2+$0xC050];
	(pc) =	sbr.rel @p0 .LBB2_10-.Ltmp4, $4  }
0x168: {  	[tilespmem:s2+$0xC020] =	vst v8;
	v8 =	vmul.f32 v4, v1;
	v2 =	vld [tilespmem:s2+$0x14050]  }
0x169: {  	[tilespmem:s2+$0x14020] =	vst v7;
	v7 =	vmul.f32 v5, v1;
	v4 =	vld [tilespmem:s2+$0xC060]  }
0x16a: {  	[tilespmem:s2+$0xC030] =	vst v8;
	v8 =	vmul.f32 v6, v1;
	v5 =	vld [tilespmem:s2+$0x14060]  }
0x16b: {  	s22 =	sadd.s32 $0x200, s22;
	[tilespmem:s2+$0x14030] =	vst v7;
	v7 =	vmul.f32 v9, v1;
	v6 =	vld [tilespmem:s2+$0xC070]  }
0x16c: {  	[tilespmem:s2+$0xC040] =	vst v8;
	v3 =	vmul.f32 v3, v1;
	v63 =	vld [tilespmem:s2+$0x14070]  }
0x16d: {  	[tilespmem:s2+$0x14040] =	vst v7;
	v2 =	vmul.f32 v2, v1  }
0x16e: {  	[tilespmem:s2+$0xC050] =	vst v3;
	v3 =	vmul.f32 v4, v1  }
0x16f: {  	[tilespmem:s2+$0x14050] =	vst v2;
	v2 =	vmul.f32 v5, v1  }
0x170: {  	[tilespmem:s2+$0xC060] =	vst v3;
	v3 =	vmul.f32 v6, v1  }
0x171: {  	[tilespmem:s2+$0x14060] =	vst v2;
	v1 =	vmul.f32 v63, v1  }
0x172: {  	[tilespmem:s2+$0xC070] =	vst v3  }
0x173: {  	[tilespmem:s2+$0x14070] =	vst v1  }
0x174: {  	[spmem:s1] =	stream.indirect.scatter.add.f32 [tilespmem:s31], [sflag:$0x4], $0x80, s4, s5, $0xb8;
	[tilespmem:$0x1D100] =	vst v63  }
0x175: {  	_ = 	snop  }
0x176: {  	[spmem:s3] =	stream.indirect.scatter.add.f32 [tilespmem:s0], [sflag:$0x4], $0x80, s4, s5, $0xb8;
	[tilespmem:$0x1D100] =	vst v63  }
0x177: {  	_ =	swait.ge [sflag:s7], $0x4000  }
0x178: {  	[sflag:s7] =	ssyncset.done $0x0  }
0x179: {  	[sflag:s7] =	ssyncadd.s32 $0xFFFFC000  }
0x17a: {  	_ =	swait.ge [sflag:s7], $0x4000  }
0x17b: {  	[sflag:s7] =	ssyncset.done $0x0  }
0x17c: {  	[sflag:s7] =	ssyncadd.s32 $0xFFFFC000  }
0x17d: {  	_ =	swait.ge [sflag:s8], $0x4000  }
0x17e: {  	[sflag:s8] =	ssyncset.done $0x0  }
0x17f: {  	[sflag:s8] =	ssyncadd.s32 $0xFFFFC000  }
0x180: {  	_ =	swait.ge [sflag:s8], $0x4000  }
0x181: {  	[sflag:s8] =	ssyncset.done $0x0  }
0x182: {  	s9 =	stileid.u32;
	[sflag:s8] =	ssyncadd.s32 $0xFFFFC000  }
0x183: {  	s25 =	simm.s32 $0x8;
	s2 =	sshll.u32 s9, $0x6;
	[bflag:$0x0] =	sbarrier.arrive $0xFFFF  }
0x184: {  	s9 =	sshrl.u32 s23, $0x3;
	s2 =	sor.u32 $0x1C05, s2;
	s22 =	rddreg [dreg:$0x1b]  }
0x185: {  	[hbm:s22@s10], [sflag:s2] =	dma.strided [spmem:s9@s5], $0x400, s25, $0x10   }
0x186: {  	_ =	swait.ge [sflag:s13], $0x400  }
0x187: {  	[sflag:s13] =	ssyncset.done $0x0  }
0x188: {  	s22 =	sshrl.u32 s24, $0x3;
	s26 =	rddreg [dreg:$0x1c];
	[sflag:s13] =	ssyncadd.s32 $0xFFFFFC00  }
0x189: {  	[hbm:s26@s10], [sflag:s2] =	dma.strided [spmem:s22@s5], $0x400, s25, $0x10   }
0x18a: {  	_ =	swait.ge [sflag:s13], $0x400  }
0x18b: {  	s21 =	sadd.s32 $0x1, s21;
	s28 =	rddreg [dreg:$0x1d]  }
0x18c: {  	p0 =	sne.s32 s21, s28  }
.Ltmp5:
0x18d: {  	_ = 	snop;
	(pc) =	sbr.rel @p0 .LBB2_1-.Ltmp5, $3  }
0x18e: {  	_ =	sdelay $0x1  }
0x18f: {  	[sflag:s13] =	ssyncset.done $0x0  }
0x190: {  	[sflag:s13] =	ssyncadd.s32 $0xFFFFFC00  }
0x191: {  	_ =	sfence.sel $0x180000  }
0x192: {  	[bflag:$0x0] =	sbarrier.arrive $0xFFFF  }
0x193: {  	_ =	strace $0x90000047  }
0x194: {  	s0 =	stileid.u32;
	[bflag:$0x2] =	sbarrier.arrive $0xFFFF  }
0x195: {  	p0 =	sne.s32 s0, $0x0;
	s0 =	rddreg [dreg:$0x5]  }
0x196: {  	s0 =	sadd.s32 @!p0 $0x100000, s0  }
0x197: {  	[sflag:s0] =	ssyncadd.tile.s32 @!p0 $0x1;
	_ =	shalt  }
.Lfunc_end2:
_tile_overlayer_lowered:
.L_overlay_start_2:
0x198: {  	(tag) =	ssettag $0x2  }
0x199: {  	s0 =	rddreg [dreg:$0x0];
	s2 =	stileid.u32  }
0x19a: {  	s1 =	rddreg [dreg:$0x1];
	p0 =	sne.s32 s2, $0x0  }
0x19b: {  	s3 =	rddreg [dreg:$0x2];
	[bflag:$0x3] =	sbarrier.arrive $0xFFFF;
	s2 =	simm.s32 @!p0 $0x1C05  }
0x19c: {  	[timem:s3], [sflag:s2] =	dma.local @!p0 [hbm:s0], s1  }
0x19d: {  	s0 =	simm.s32 @!p0 $0x5  }
0x19e: {  	_ =	swait.ge @!p0 [sflag:s0], s1  }
0x19f: {  	s1 =	ssub.s32 @!p0 $0x0, s1;
	[sflag:s0] =	ssyncset.done @!p0 $0x0  }
0x1a0: {  	[sflag:s0] =	ssyncadd.s32 @!p0 s1  }
0x1a1: {  	[bflag:$0x3] =	sbarrier.arrive $0xFFFF  }
0x1a2: {  	_ =	shalt  }

</sc_bundles>
